<compile_context>
chip_gen: v7x
topology: tpu7x:2x2x1
jax: 0.10.2.dev20260603
libtpu: 0.0.44.dev20260713+nightly
codegen_flags: <defaults>
</compile_context>

<pallas_src>
import functools
import math

import jax
import jax.numpy as jnp
from jax import lax
from jax.experimental import pallas as pl
from jax.experimental.pallas import tpu as pltpu
from jax.experimental.pallas import tpu_sc as plsc

N = 10000
E = 320000
D = 128
B = 100

NC = 2
NS = 16
EBLK = 128
NBLK = E // EBLK
LH = D // NC
BPT = NBLK // NS
XTRA = NBLK - BPT * NS
NPAIR = BPT // 2
IDXROWS = BPT + 4
DST_PAD_ROWS = max(0, BPT * (NS - 1) + min(NS - 1, XTRA) + IDXROWS - NBLK)
RPT_A = N // NS
_ZCHUNKS_A = (128, 128, 128, 128, 113)
DEGW = 16
RPT_D = 640
NPAD_D = NS * RPT_D

_HIGH = lax.Precision.HIGHEST


def _sc_segsum_body(edge_feat_hbm, edge_dst_hbm, acc_out, deg_out,
                    idx_all, fbA, fbB, ones_buf, semA, semB, semSA, semSB,
                    semO, acc_sp, deg_sp):
    c = lax.axis_index("c")
    s = lax.axis_index("s")

    def _fill(i, _):
        ones_buf[i, :] = jnp.zeros((DEGW,), jnp.float32)
        for j in range(LH // 16):
            fbA[i, pl.ds(j * 16, 16)] = jnp.zeros((16,), jnp.float32)
        return 0
    lax.fori_loop(0, EBLK, _fill, 0)

    abase = s * RPT_A
    off = 0
    for zc in _ZCHUNKS_A:
        pltpu.sync_copy(fbA.at[pl.ds(0, zc)],
                        acc_sp.at[pl.ds(abase + off, zc)])
        off += zc
    dbase = s * RPT_D
    for r in range(RPT_D // EBLK):
        pltpu.sync_copy(ones_buf, deg_sp.at[pl.ds(dbase + r * EBLK, EBLK)])

    def _refill(i, _):
        ones_buf[i, :] = jnp.ones((DEGW,), jnp.float32)
        return 0
    lax.fori_loop(0, EBLK, _refill, 0)

    s0 = s * BPT + jnp.minimum(s, XTRA)
    pltpu.sync_copy(edge_dst_hbm.at[pl.ds(s0, IDXROWS)], idx_all)

    plsc.subcore_barrier()

    def _fetch(b, fb, sem):
        pltpu.async_copy(
            edge_feat_hbm.at[pl.ds(b * EBLK, EBLK), pl.ds(c * LH, LH)],
            fb, sem)

    def _waitf(fb, sem):
        pltpu.make_async_copy(
            edge_feat_hbm.at[pl.ds(0, EBLK), pl.ds(0, LH)], fb, sem).wait()

    def _wait_ones():
        pltpu.make_async_copy(ones_buf, deg_sp.at[idx_all.at[0]],
                              semO).wait()

    def _wait_scat(fb, semS):
        pltpu.make_async_copy(fb, acc_sp.at[idx_all.at[0]], semS).wait()

    _fetch(s0, fbA, semA)
    _fetch(s0 + 1, fbB, semB)

    def _pair(p, _):
        j0 = 2 * p
        _waitf(fbA, semA)
        pltpu.async_copy(fbA, acc_sp.at[idx_all.at[j0]], semSA, add=True)

        @pl.when(c == 0)
        def _():
            @pl.when(p > 0)
            def _():
                _wait_ones()
            pltpu.async_copy(ones_buf, deg_sp.at[idx_all.at[j0]], semO,
                             add=True)
        _waitf(fbB, semB)
        pltpu.async_copy(fbB, acc_sp.at[idx_all.at[j0 + 1]], semSB,
                         add=True)

        @pl.when(c == 1)
        def _():
            @pl.when(p > 0)
            def _():
                _wait_ones()
            pltpu.async_copy(ones_buf, deg_sp.at[idx_all.at[j0 + 1]], semO,
                             add=True)
        _wait_scat(fbA, semSA)

        @pl.when(p < NPAIR - 1)
        def _():
            _fetch(s0 + j0 + 2, fbA, semA)
        _wait_scat(fbB, semSB)

        @pl.when(p < NPAIR - 1)
        def _():
            _fetch(s0 + j0 + 3, fbB, semB)
        return 0
    lax.fori_loop(0, NPAIR, _pair, 0)
    _wait_ones()

    @pl.when(s < XTRA)
    def _():
        _fetch(s0 + BPT, fbA, semA)
        _waitf(fbA, semA)
        pltpu.sync_copy(fbA, acc_sp.at[idx_all.at[BPT]], add=True)

        @pl.when(c == 0)
        def _():
            pltpu.sync_copy(ones_buf, deg_sp.at[idx_all.at[BPT]], add=True)

    plsc.subcore_barrier()

    pltpu.sync_copy(acc_sp.at[pl.ds(abase, RPT_A)],
                    acc_out.at[pl.ds(abase, RPT_A), pl.ds(c * LH, LH)])
    pltpu.sync_copy(deg_sp.at[pl.ds(dbase, RPT_D)],
                    deg_out.at[c, pl.ds(dbase, RPT_D)])


@functools.cache
def _sc_segsum():
    return pl.kernel(
        _sc_segsum_body,
        out_type=[jax.ShapeDtypeStruct((N, D), jnp.float32),
                  jax.ShapeDtypeStruct((NC, NPAD_D, DEGW), jnp.float32)],
        mesh=plsc.VectorSubcoreMesh(core_axis_name="c", subcore_axis_name="s",
                                    num_cores=NC, num_subcores=NS),
        scratch_types=[
            pltpu.VMEM((IDXROWS, EBLK), jnp.int32),
            pltpu.VMEM((EBLK, LH), jnp.float32),
            pltpu.VMEM((EBLK, LH), jnp.float32),
            pltpu.VMEM((EBLK, DEGW), jnp.float32),
            pltpu.SemaphoreType.DMA,
            pltpu.SemaphoreType.DMA,
            pltpu.SemaphoreType.DMA,
            pltpu.SemaphoreType.DMA,
            pltpu.SemaphoreType.DMA,
            pltpu.VMEM_SHARED((N, LH), jnp.float32),
            pltpu.VMEM_SHARED((NPAD_D, DEGW), jnp.float32),
        ],
        compiler_params=pltpu.CompilerParams(use_tc_tiling_on_sc=False),
    )


NROWS = 1000
NGRID = N // NROWS


def _vn_body(ids_ref, nf_ref, vne_ref, W1_ref, b1_ref, lng_ref, lnb_ref,
             W2_ref, b2_ref, vn_ref, acc_ref):
    i = pl.program_id(0)

    @pl.when(i == 0)
    def _():
        acc_ref[...] = jnp.zeros_like(acc_ref)

    ids = ids_ref[0, 0, :]
    onehot = (ids[:, None] ==
              lax.broadcasted_iota(jnp.int32, (NROWS, B), 1)).astype(jnp.float32)
    aug = jnp.concatenate(
        [nf_ref[...], jnp.ones((NROWS, 1), jnp.float32)], axis=1)
    acc_ref[...] += lax.dot_general(onehot, aug, (((0,), (0,)), ((), ())),
                                    precision=_HIGH)

    @pl.when(i == NGRID - 1)
    def _():
        sums = acc_ref[:, 0:D]
        cnt = acc_ref[:, D:D + 1]
        gmean = sums / jnp.maximum(cnt, 1.0)
        vne_h = lax.dot_general(vne_ref[...], W1_ref[0:D, :],
                                (((1,), (0,)), ((), ())), precision=_HIGH)
        h = vne_h + b1_ref[...] + lax.dot_general(
            gmean, W1_ref[D:2 * D, :], (((1,), (0,)), ((), ())),
            precision=_HIGH)
        h = 0.5 * h * (1.0 + lax.erf(h * (1.0 / math.sqrt(2.0))))
        mu = jnp.mean(h, axis=1, keepdims=True)
        var = jnp.mean((h - mu) ** 2, axis=1, keepdims=True)
        h = (h - mu) * lax.rsqrt(var + 1e-5) * lng_ref[...] + lnb_ref[...]
        vn_ref[...] = b2_ref[...] + lax.dot_general(
            h, W2_ref[...], (((1,), (0,)), ((), ())), precision=_HIGH)


def _vn_call(ids3, node_feat, vne, W1, b1r, lngr, lnbr, W2, b2r):
    return pl.pallas_call(
        _vn_body,
        grid=(NGRID,),
        in_specs=[
            pl.BlockSpec((1, 1, NROWS), lambda i: (i, 0, 0)),
            pl.BlockSpec((NROWS, D), lambda i: (i, 0)),
            pl.BlockSpec((1, D), lambda i: (0, 0)),
            pl.BlockSpec((2 * D, D), lambda i: (0, 0)),
            pl.BlockSpec((1, D), lambda i: (0, 0)),
            pl.BlockSpec((1, D), lambda i: (0, 0)),
            pl.BlockSpec((1, D), lambda i: (0, 0)),
            pl.BlockSpec((D, D), lambda i: (0, 0)),
            pl.BlockSpec((1, D), lambda i: (0, 0)),
        ],
        out_specs=pl.BlockSpec((B, D), lambda i: (0, 0)),
        out_shape=jax.ShapeDtypeStruct((B, D), jnp.float32),
        scratch_shapes=[pltpu.VMEM((B, D + 1), jnp.float32)],
    )(ids3, node_feat, vne, W1, b1r, lngr, lnbr, W2, b2r)


def _nf_body(ids_ref, nf_ref, acc_ref, deg_ref, vn_ref, We_ref, be_ref,
             out_ref):
    ids = ids_ref[0, 0, :]
    onehot = (ids[:, None] ==
              lax.broadcasted_iota(jnp.int32, (NROWS, B), 1)).astype(jnp.float32)
    vnb = lax.dot_general(onehot, vn_ref[...], (((1,), (0,)), ((), ())),
                          precision=_HIGH)
    asum = acc_ref[...]
    deg = deg_ref[0, 0, :][:, None]
    emean = asum / jnp.maximum(deg, 1.0)
    e = lax.dot_general(emean, We_ref[...], (((1,), (0,)), ((), ())),
                        precision=_HIGH)
    e = e + be_ref[...] * (deg > 0.0).astype(jnp.float32)
    out_ref[...] = nf_ref[...] + vnb + e


def _nf_call(ids3, node_feat, acc, deg3, vn, We, ber):
    return pl.pallas_call(
        _nf_body,
        grid=(NGRID,),
        in_specs=[
            pl.BlockSpec((1, 1, NROWS), lambda i: (i, 0, 0)),
            pl.BlockSpec((NROWS, D), lambda i: (i, 0)),
            pl.BlockSpec((NROWS, D), lambda i: (i, 0)),
            pl.BlockSpec((1, 1, NROWS), lambda i: (i, 0, 0)),
            pl.BlockSpec((B, D), lambda i: (0, 0)),
            pl.BlockSpec((D, D), lambda i: (0, 0)),
            pl.BlockSpec((1, D), lambda i: (0, 0)),
        ],
        out_specs=pl.BlockSpec((NROWS, D), lambda i: (i, 0)),
        out_shape=jax.ShapeDtypeStruct((N, D), jnp.float32),
    )(ids3, node_feat, acc, deg3, vn, We, ber)


def kernel(node_feat, edge_feat, edge_dst, node_graph_indices,
           virtual_node_emb, W1, b1, ln_g, ln_b, W2, b2, We, be):
    edge_dst2 = jnp.pad(edge_dst.reshape(NBLK, EBLK),
                        ((0, DST_PAD_ROWS), (0, 0)))
    ids3 = node_graph_indices.reshape(NGRID, 1, NROWS)

    acc, degacc = _sc_segsum()(edge_feat, edge_dst2)
    deg3 = (degacc[0, :N, 0] + degacc[1, :N, 0]).reshape(NGRID, 1, NROWS)
    vn = _vn_call(ids3, node_feat, virtual_node_emb, W1,
                  b1.reshape(1, D), ln_g.reshape(1, D), ln_b.reshape(1, D),
                  W2, b2.reshape(1, D))
    nf = _nf_call(ids3, node_feat, acc, deg3, vn, We, be.reshape(1, D))
    return nf, vn

# --- scband reference (transcript-rebuilt; emitter-appended) ---
"""Pipeline reference for scband-enhanced-hetero-graph-6305011991143 (READ-ONLY COPY).

The authoritative reference and input builder live on the scoring server;
editing this copy changes nothing except your own understanding.
"""

import jax, jax.numpy as jnp
import numpy as np

N = 10000
E = 320000
D = 128
B = 100


def setup_inputs(seed: int = 0) -> dict:
    key = jax.random.key(seed)
    ks = jax.random.split(key, 14)
    node_feat = jax.random.normal(ks[0], (N, D), dtype=jnp.float32)
    edge_feat = jax.random.normal(ks[1], (E, D), dtype=jnp.float32)
    edge_dst = jax.random.randint(ks[2], (E,), 0, N, dtype=jnp.int32)
    node_graph_indices = jnp.sort(jax.random.randint(ks[3], (N,), 0, B, dtype=jnp.int32))
    virtual_node_emb = jax.random.normal(ks[4], (1, D), dtype=jnp.float32)
    W1 = jax.random.normal(ks[5], (2 * D, D), dtype=jnp.float32) * 0.02
    b1 = jnp.zeros((D,), jnp.float32)
    ln_g = jnp.ones((D,), jnp.float32)
    ln_b = jnp.zeros((D,), jnp.float32)
    W2 = jax.random.normal(ks[6], (D, D), dtype=jnp.float32) * 0.05
    b2 = jnp.zeros((D,), jnp.float32)
    We = jax.random.normal(ks[7], (D, D), dtype=jnp.float32) * 0.05
    be = jnp.zeros((D,), jnp.float32)
    return {
        "node_feat": node_feat,
        "edge_feat": edge_feat,
        "edge_dst": edge_dst,
        "node_graph_indices": node_graph_indices,
        "virtual_node_emb": virtual_node_emb,
        "W1": W1, "b1": b1,
        "ln_g": ln_g, "ln_b": ln_b,
        "W2": W2, "b2": b2,
        "We": We, "be": be,
    }


def _layernorm(x, g, b, eps=1e-5):
    mu = jnp.mean(x, axis=-1, keepdims=True)
    var = jnp.var(x, axis=-1, keepdims=True)
    return (x - mu) / jnp.sqrt(var + eps) * g + b


def reference(node_feat, edge_feat, edge_dst, node_graph_indices,
              virtual_node_emb, W1, b1, ln_g, ln_b, W2, b2, We, be):
    # virtual node init: repeat learned embedding per graph in the batch
    vn = jnp.tile(virtual_node_emb, (B, 1))  # [B, D]
    # dgl.mean_nodes: per-graph mean of node features (segment mean)
    counts = jnp.maximum(jnp.bincount(node_graph_indices, length=B), 1).astype(jnp.float32)
    graph_sum = jax.ops.segment_sum(node_feat, node_graph_indices, num_segments=B)
    graph_mean = graph_sum / counts[:, None]
    # virtual node MLP: Linear(2D->D) -> GELU(exact) -> LayerNorm -> Linear(D->D)
    x = jnp.concatenate([vn, graph_mean], axis=-1)
    h = x @ W1 + b1
    h = jax.nn.gelu(h, approximate=False)
    h = _layernorm(h, ln_g, ln_b)
    vn = h @ W2 + b2  # [B, D]
    # broadcast virtual node back to its graph's nodes (gather)
    nf = node_feat + vn[node_graph_indices]
    # edge-to-node propagation: copy_e + mean over incoming edges (scatter-mean)
    m = edge_feat @ We + be  # [E, D]
    agg_sum = jax.ops.segment_sum(m, edge_dst, num_segments=N)
    deg = jnp.maximum(jnp.bincount(edge_dst, length=N), 1).astype(jnp.float32)
    nf = nf + agg_sum / deg[:, None]  # nodes with no in-edges get 0, matching DGL
    return nf, vn

if __name__ == "__main__":
    import jax
    _d = setup_inputs()
    print(jax.jit(kernel)(*tuple(_d.values())))

</pallas_src>

<mosaic_0001>
#map = affine_map<(d0, d1) -> (0, 0)>
#map1 = affine_map<(d0, d1) -> (0, 0, 0)>
module attributes {stable_mosaic.version = 14 : i64} {
  func.func @_sc_segsum_body(%arg0: i32, %arg1: i32, %arg2: memref<320000x128xf32, #tpu.memory_space<hbm>>, %arg3: memref<2504x128xi32, #tpu.memory_space<hbm>>, %arg4: memref<10000x128xf32, #tpu.memory_space<hbm>>, %arg5: memref<2x10240x16xf32, #tpu.memory_space<hbm>>, %arg6: memref<160x128xi32, #tpu.memory_space<vmem>>, %arg7: memref<128x64xf32, #tpu.memory_space<vmem>>, %arg8: memref<128x64xf32, #tpu.memory_space<vmem>>, %arg9: memref<128x16xf32, #tpu.memory_space<vmem>>, %arg10: memref<!tpu.dma_semaphore, #tpu.memory_space<semaphore_mem>>, %arg11: memref<!tpu.dma_semaphore, #tpu.memory_space<semaphore_mem>>, %arg12: memref<!tpu.dma_semaphore, #tpu.memory_space<semaphore_mem>>, %arg13: memref<!tpu.dma_semaphore, #tpu.memory_space<semaphore_mem>>, %arg14: memref<!tpu.dma_semaphore, #tpu.memory_space<semaphore_mem>>, %arg15: memref<10000x64xf32, #tpu.memory_space<vmem_shared>>, %arg16: memref<10240x16xf32, #tpu.memory_space<vmem_shared>>) attributes {dimension_semantics = [#tpu.dimension_semantics<core_parallel>, #tpu.dimension_semantics<subcore_parallel>], iteration_bounds = array<i64: 2, 16>, scalar_prefetch = 0 : i64, scratch_operands = 11 : i64, tpu.core_type = #tpu.core_type<sc_vector_subcore>, window_params = [{transform_indices = #map}, {transform_indices = #map}, {transform_indices = #map}, {transform_indices = #map1}]} {
    %scan3A = arith.constant 0 : i32
    %scan3A_0 = arith.constant 0 : i32
    %scan3A_1 = arith.constant 128 : i32
    %scan3A_2 = arith.addi %scan3A_0, %scan3A_1 : i32
    %scan3A_3 = arith.constant 1 : i32
    %scan3A_4 = scf.for %scan3A_70 = %scan3A_0 to %scan3A_2 step %scan3A_3 iter_args(%scan3A_71 = %scan3A) -> (i32)  : i32 {
      %broadcast_in_dim3A = arith.constant 0.000000e+00 : f32
      %broadcast_in_dim3A_72 = vector.broadcast %broadcast_in_dim3A : f32 to vector<16xf32>
      %swap3A = arith.index_cast %scan3A_70 : i32 to index
      %swap3A_73 = arith.constant 0 : index
      %swap3A_74 = tpu.vector_load %arg9[%swap3A, %swap3A_73] {strides = array<i32>} : memref<128x16xf32, #tpu.memory_space<vmem>>, vector<1x16xf32>,
      %swap3A_75 = vector.shape_cast %swap3A_74 : vector<1x16xf32> to vector<16xf32>
      %swap3A_76 = vector.shape_cast %broadcast_in_dim3A_72 : vector<16xf32> to vector<1x16xf32>
      tpu.vector_store %arg9[%swap3A, %swap3A_73], %swap3A_76 {strides = array<i32>} : memref<128x16xf32, #tpu.memory_space<vmem>>, vector<1x16xf32>,
      %broadcast_in_dim3A_77 = arith.constant 0.000000e+00 : f32
      %broadcast_in_dim3A_78 = vector.broadcast %broadcast_in_dim3A_77 : f32 to vector<16xf32>
      %swap3A_79 = arith.index_cast %scan3A_70 : i32 to index
      %swap3A_80 = arith.constant 0 : index
      %swap3A_81 = tpu.vector_load %arg7[%swap3A_79, %swap3A_80] {strides = array<i32>} : memref<128x64xf32, #tpu.memory_space<vmem>>, vector<1x16xf32>,
      %swap3A_82 = vector.shape_cast %swap3A_81 : vector<1x16xf32> to vector<16xf32>
      %swap3A_83 = vector.shape_cast %broadcast_in_dim3A_78 : vector<16xf32> to vector<1x16xf32>
      tpu.vector_store %arg7[%swap3A_79, %swap3A_80], %swap3A_83 {strides = array<i32>} : memref<128x64xf32, #tpu.memory_space<vmem>>, vector<1x16xf32>,
      %broadcast_in_dim3A_84 = arith.constant 0.000000e+00 : f32
      %broadcast_in_dim3A_85 = vector.broadcast %broadcast_in_dim3A_84 : f32 to vector<16xf32>
      %swap3A_86 = arith.index_cast %scan3A_70 : i32 to index
      %swap3A_87 = arith.constant 16 : index
      %swap3A_88 = tpu.vector_load %arg7[%swap3A_86, %swap3A_87] {strides = array<i32>} : memref<128x64xf32, #tpu.memory_space<vmem>>, vector<1x16xf32>,
      %swap3A_89 = vector.shape_cast %swap3A_88 : vector<1x16xf32> to vector<16xf32>
      %swap3A_90 = vector.shape_cast %broadcast_in_dim3A_85 : vector<16xf32> to vector<1x16xf32>
      tpu.vector_store %arg7[%swap3A_86, %swap3A_87], %swap3A_90 {strides = array<i32>} : memref<128x64xf32, #tpu.memory_space<vmem>>, vector<1x16xf32>,
      %broadcast_in_dim3A_91 = arith.constant 0.000000e+00 : f32
      %broadcast_in_dim3A_92 = vector.broadcast %broadcast_in_dim3A_91 : f32 to vector<16xf32>
      %swap3A_93 = arith.index_cast %scan3A_70 : i32 to index
      %swap3A_94 = arith.constant 32 : index
      %swap3A_95 = tpu.vector_load %arg7[%swap3A_93, %swap3A_94] {strides = array<i32>} : memref<128x64xf32, #tpu.memory_space<vmem>>, vector<1x16xf32>,
      %swap3A_96 = vector.shape_cast %swap3A_95 : vector<1x16xf32> to vector<16xf32>
      %swap3A_97 = vector.shape_cast %broadcast_in_dim3A_92 : vector<16xf32> to vector<1x16xf32>
      tpu.vector_store %arg7[%swap3A_93, %swap3A_94], %swap3A_97 {strides = array<i32>} : memref<128x64xf32, #tpu.memory_space<vmem>>, vector<1x16xf32>,
      %broadcast_in_dim3A_98 = arith.constant 0.000000e+00 : f32
      %broadcast_in_dim3A_99 = vector.broadcast %broadcast_in_dim3A_98 : f32 to vector<16xf32>
      %swap3A_100 = arith.index_cast %scan3A_70 : i32 to index
      %swap3A_101 = arith.constant 48 : index
      %swap3A_102 = tpu.vector_load %arg7[%swap3A_100, %swap3A_101] {strides = array<i32>} : memref<128x64xf32, #tpu.memory_space<vmem>>, vector<1x16xf32>,
      %swap3A_103 = vector.shape_cast %swap3A_102 : vector<1x16xf32> to vector<16xf32>
      %swap3A_104 = vector.shape_cast %broadcast_in_dim3A_99 : vector<16xf32> to vector<1x16xf32>
      tpu.vector_store %arg7[%swap3A_100, %swap3A_101], %swap3A_104 {strides = array<i32>} : memref<128x64xf32, #tpu.memory_space<vmem>>, vector<1x16xf32>,
      %scan3A_105 = arith.constant 0 : i32
      scf.yield %scan3A_105 : i32
    }
    %scan3A_5 = arith.constant 128 : i32
    %mul3A = arith.constant 625 : i32
    %mul3A_6 = arith.muli %arg1, %mul3A : i32
    %add3A = arith.constant 0 : i32
    %add3A_7 = arith.addi %mul3A_6, %add3A : i32
    "tpu.region"() ({
      %run_scoped3A = tpu.sem_alloc : memref<!tpu.dma_semaphore, #tpu.memory_space<semaphore_mem>>
      %dma_start3A_70 = arith.constant 0 : i32
      %dma_start3A_71 = arith.constant 0 : i32
      %dma_start3A_72 = tpu.memref_slice %arg7[%dma_start3A_70, %dma_start3A_71] : memref<128x64xf32, #tpu.memory_space<vmem>> -> memref<128x64xf32, #tpu.memory_space<vmem>>
      %dma_start3A_73 = arith.constant 0 : i32
      %dma_start3A_74 = tpu.memref_slice %arg15[%add3A_7, %dma_start3A_73] : memref<10000x64xf32, #tpu.memory_space<vmem_shared>> -> memref<128x64xf32, #tpu.memory_space<vmem_shared>>
      %dma_start3A_75 = arith.constant 0 : i32
      %dma_start3A_76 = tpu.memref_slice %arg15[%add3A_7, %dma_start3A_75] : memref<10000x64xf32, #tpu.memory_space<vmem_shared>> -> memref<128x64xf32, #tpu.memory_space<vmem_shared>>
      %dma_start3A_77 = arith.constant 0 : i32
      %dma_start3A_78 = arith.constant 0 : i32
      %dma_start3A_79 = tpu.memref_slice %arg7[%dma_start3A_77, %dma_start3A_78] : memref<128x64xf32, #tpu.memory_space<vmem>> -> memref<128x64xf32, #tpu.memory_space<vmem>>
      tpu.enqueue_dma source(%dma_start3A_79 : memref<128x64xf32, #tpu.memory_space<vmem>>) target(%dma_start3A_76 : memref<128x64xf32, #tpu.memory_space<vmem_shared>>) target_semaphore(%run_scoped3A : memref<!tpu.dma_semaphore, #tpu.memory_space<semaphore_mem>>)
      %dma_wait3A_80 = arith.constant 0 : i32
      %dma_wait3A_81 = arith.constant 0 : i32
      %dma_wait3A_82 = tpu.memref_slice %arg7[%dma_wait3A_80, %dma_wait3A_81] : memref<128x64xf32, #tpu.memory_space<vmem>> -> memref<128x64xf32, #tpu.memory_space<vmem>>
      %dma_wait3A_83 = arith.constant 0 : i32
      %dma_wait3A_84 = tpu.memref_slice %arg15[%add3A_7, %dma_wait3A_83] : memref<10000x64xf32, #tpu.memory_space<vmem_shared>> -> memref<128x64xf32, #tpu.memory_space<vmem_shared>>
      %dma_wait3A_85 = arith.constant 0 : i32
      %dma_wait3A_86 = tpu.memref_slice %arg15[%add3A_7, %dma_wait3A_85] : memref<10000x64xf32, #tpu.memory_space<vmem_shared>> -> memref<128x64xf32, #tpu.memory_space<vmem_shared>>
      %dma_wait3A_87 = arith.constant 0 : i32
      %dma_wait3A_88 = arith.constant 0 : i32
      %dma_wait3A_89 = tpu.memref_slice %arg7[%dma_wait3A_87, %dma_wait3A_88] : memref<128x64xf32, #tpu.memory_space<vmem>> -> memref<128x64xf32, #tpu.memory_space<vmem>>
      tpu.wait_dma2 semaphore(%run_scoped3A : memref<!tpu.dma_semaphore, #tpu.memory_space<semaphore_mem>>) src(%dma_wait3A_89 : memref<128x64xf32, #tpu.memory_space<vmem>>) dst(%dma_wait3A_86 : memref<128x64xf32, #tpu.memory_space<vmem_shared>>)
      tpu.yield
    }) : () -> ()
    %add3A_8 = arith.constant 128 : i32
    %add3A_9 = arith.addi %mul3A_6, %add3A_8 : i32
    "tpu.region"() ({
      %run_scoped3A = tpu.sem_alloc : memref<!tpu.dma_semaphore, #tpu.memory_space<semaphore_mem>>
      %dma_start3A_70 = arith.constant 0 : i32
      %dma_start3A_71 = arith.constant 0 : i32
      %dma_start3A_72 = tpu.memref_slice %arg7[%dma_start3A_70, %dma_start3A_71] : memref<128x64xf32, #tpu.memory_space<vmem>> -> memref<128x64xf32, #tpu.memory_space<vmem>>
      %dma_start3A_73 = arith.constant 0 : i32
      %dma_start3A_74 = tpu.memref_slice %arg15[%add3A_9, %dma_start3A_73] : memref<10000x64xf32, #tpu.memory_space<vmem_shared>> -> memref<128x64xf32, #tpu.memory_space<vmem_shared>>
      %dma_start3A_75 = arith.constant 0 : i32
      %dma_start3A_76 = tpu.memref_slice %arg15[%add3A_9, %dma_start3A_75] : memref<10000x64xf32, #tpu.memory_space<vmem_shared>> -> memref<128x64xf32, #tpu.memory_space<vmem_shared>>
      %dma_start3A_77 = arith.constant 0 : i32
      %dma_start3A_78 = arith.constant 0 : i32
      %dma_start3A_79 = tpu.memref_slice %arg7[%dma_start3A_77, %dma_start3A_78] : memref<128x64xf32, #tpu.memory_space<vmem>> -> memref<128x64xf32, #tpu.memory_space<vmem>>
      tpu.enqueue_dma source(%dma_start3A_79 : memref<128x64xf32, #tpu.memory_space<vmem>>) target(%dma_start3A_76 : memref<128x64xf32, #tpu.memory_space<vmem_shared>>) target_semaphore(%run_scoped3A : memref<!tpu.dma_semaphore, #tpu.memory_space<semaphore_mem>>)
      %dma_wait3A_80 = arith.constant 0 : i32
      %dma_wait3A_81 = arith.constant 0 : i32
      %dma_wait3A_82 = tpu.memref_slice %arg7[%dma_wait3A_80, %dma_wait3A_81] : memref<128x64xf32, #tpu.memory_space<vmem>> -> memref<128x64xf32, #tpu.memory_space<vmem>>
      %dma_wait3A_83 = arith.constant 0 : i32
      %dma_wait3A_84 = tpu.memref_slice %arg15[%add3A_9, %dma_wait3A_83] : memref<10000x64xf32, #tpu.memory_space<vmem_shared>> -> memref<128x64xf32, #tpu.memory_space<vmem_shared>>
      %dma_wait3A_85 = arith.constant 0 : i32
      %dma_wait3A_86 = tpu.memref_slice %arg15[%add3A_9, %dma_wait3A_85] : memref<10000x64xf32, #tpu.memory_space<vmem_shared>> -> memref<128x64xf32, #tpu.memory_space<vmem_shared>>
      %dma_wait3A_87 = arith.constant 0 : i32
      %dma_wait3A_88 = arith.constant 0 : i32
      %dma_wait3A_89 = tpu.memref_slice %arg7[%dma_wait3A_87, %dma_wait3A_88] : memref<128x64xf32, #tpu.memory_space<vmem>> -> memref<128x64xf32, #tpu.memory_space<vmem>>
      tpu.wait_dma2 semaphore(%run_scoped3A : memref<!tpu.dma_semaphore, #tpu.memory_space<semaphore_mem>>) src(%dma_wait3A_89 : memref<128x64xf32, #tpu.memory_space<vmem>>) dst(%dma_wait3A_86 : memref<128x64xf32, #tpu.memory_space<vmem_shared>>)
      tpu.yield
    }) : () -> ()
    %add3A_10 = arith.constant 256 : i32
    %add3A_11 = arith.addi %mul3A_6, %add3A_10 : i32
    "tpu.region"() ({
      %run_scoped3A = tpu.sem_alloc : memref<!tpu.dma_semaphore, #tpu.memory_space<semaphore_mem>>
      %dma_start3A_70 = arith.constant 0 : i32
      %dma_start3A_71 = arith.constant 0 : i32
      %dma_start3A_72 = tpu.memref_slice %arg7[%dma_start3A_70, %dma_start3A_71] : memref<128x64xf32, #tpu.memory_space<vmem>> -> memref<128x64xf32, #tpu.memory_space<vmem>>
      %dma_start3A_73 = arith.constant 0 : i32
      %dma_start3A_74 = tpu.memref_slice %arg15[%add3A_11, %dma_start3A_73] : memref<10000x64xf32, #tpu.memory_space<vmem_shared>> -> memref<128x64xf32, #tpu.memory_space<vmem_shared>>
      %dma_start3A_75 = arith.constant 0 : i32
      %dma_start3A_76 = tpu.memref_slice %arg15[%add3A_11, %dma_start3A_75] : memref<10000x64xf32, #tpu.memory_space<vmem_shared>> -> memref<128x64xf32, #tpu.memory_space<vmem_shared>>
      %dma_start3A_77 = arith.constant 0 : i32
      %dma_start3A_78 = arith.constant 0 : i32
      %dma_start3A_79 = tpu.memref_slice %arg7[%dma_start3A_77, %dma_start3A_78] : memref<128x64xf32, #tpu.memory_space<vmem>> -> memref<128x64xf32, #tpu.memory_space<vmem>>
      tpu.enqueue_dma source(%dma_start3A_79 : memref<128x64xf32, #tpu.memory_space<vmem>>) target(%dma_start3A_76 : memref<128x64xf32, #tpu.memory_space<vmem_shared>>) target_semaphore(%run_scoped3A : memref<!tpu.dma_semaphore, #tpu.memory_space<semaphore_mem>>)
      %dma_wait3A_80 = arith.constant 0 : i32
      %dma_wait3A_81 = arith.constant 0 : i32
      %dma_wait3A_82 = tpu.memref_slice %arg7[%dma_wait3A_80, %dma_wait3A_81] : memref<128x64xf32, #tpu.memory_space<vmem>> -> memref<128x64xf32, #tpu.memory_space<vmem>>
      %dma_wait3A_83 = arith.constant 0 : i32
      %dma_wait3A_84 = tpu.memref_slice %arg15[%add3A_11, %dma_wait3A_83] : memref<10000x64xf32, #tpu.memory_space<vmem_shared>> -> memref<128x64xf32, #tpu.memory_space<vmem_shared>>
      %dma_wait3A_85 = arith.constant 0 : i32
      %dma_wait3A_86 = tpu.memref_slice %arg15[%add3A_11, %dma_wait3A_85] : memref<10000x64xf32, #tpu.memory_space<vmem_shared>> -> memref<128x64xf32, #tpu.memory_space<vmem_shared>>
      %dma_wait3A_87 = arith.constant 0 : i32
      %dma_wait3A_88 = arith.constant 0 : i32
      %dma_wait3A_89 = tpu.memref_slice %arg7[%dma_wait3A_87, %dma_wait3A_88] : memref<128x64xf32, #tpu.memory_space<vmem>> -> memref<128x64xf32, #tpu.memory_space<vmem>>
      tpu.wait_dma2 semaphore(%run_scoped3A : memref<!tpu.dma_semaphore, #tpu.memory_space<semaphore_mem>>) src(%dma_wait3A_89 : memref<128x64xf32, #tpu.memory_space<vmem>>) dst(%dma_wait3A_86 : memref<128x64xf32, #tpu.memory_space<vmem_shared>>)
      tpu.yield
    }) : () -> ()
    %add3A_12 = arith.constant 384 : i32
    %add3A_13 = arith.addi %mul3A_6, %add3A_12 : i32
    "tpu.region"() ({
      %run_scoped3A = tpu.sem_alloc : memref<!tpu.dma_semaphore, #tpu.memory_space<semaphore_mem>>
      %dma_start3A_70 = arith.constant 0 : i32
      %dma_start3A_71 = arith.constant 0 : i32
      %dma_start3A_72 = tpu.memref_slice %arg7[%dma_start3A_70, %dma_start3A_71] : memref<128x64xf32, #tpu.memory_space<vmem>> -> memref<128x64xf32, #tpu.memory_space<vmem>>
      %dma_start3A_73 = arith.constant 0 : i32
      %dma_start3A_74 = tpu.memref_slice %arg15[%add3A_13, %dma_start3A_73] : memref<10000x64xf32, #tpu.memory_space<vmem_shared>> -> memref<128x64xf32, #tpu.memory_space<vmem_shared>>
      %dma_start3A_75 = arith.constant 0 : i32
      %dma_start3A_76 = tpu.memref_slice %arg15[%add3A_13, %dma_start3A_75] : memref<10000x64xf32, #tpu.memory_space<vmem_shared>> -> memref<128x64xf32, #tpu.memory_space<vmem_shared>>
      %dma_start3A_77 = arith.constant 0 : i32
      %dma_start3A_78 = arith.constant 0 : i32
      %dma_start3A_79 = tpu.memref_slice %arg7[%dma_start3A_77, %dma_start3A_78] : memref<128x64xf32, #tpu.memory_space<vmem>> -> memref<128x64xf32, #tpu.memory_space<vmem>>
      tpu.enqueue_dma source(%dma_start3A_79 : memref<128x64xf32, #tpu.memory_space<vmem>>) target(%dma_start3A_76 : memref<128x64xf32, #tpu.memory_space<vmem_shared>>) target_semaphore(%run_scoped3A : memref<!tpu.dma_semaphore, #tpu.memory_space<semaphore_mem>>)
      %dma_wait3A_80 = arith.constant 0 : i32
      %dma_wait3A_81 = arith.constant 0 : i32
      %dma_wait3A_82 = tpu.memref_slice %arg7[%dma_wait3A_80, %dma_wait3A_81] : memref<128x64xf32, #tpu.memory_space<vmem>> -> memref<128x64xf32, #tpu.memory_space<vmem>>
      %dma_wait3A_83 = arith.constant 0 : i32
      %dma_wait3A_84 = tpu.memref_slice %arg15[%add3A_13, %dma_wait3A_83] : memref<10000x64xf32, #tpu.memory_space<vmem_shared>> -> memref<128x64xf32, #tpu.memory_space<vmem_shared>>
      %dma_wait3A_85 = arith.constant 0 : i32
      %dma_wait3A_86 = tpu.memref_slice %arg15[%add3A_13, %dma_wait3A_85] : memref<10000x64xf32, #tpu.memory_space<vmem_shared>> -> memref<128x64xf32, #tpu.memory_space<vmem_shared>>
      %dma_wait3A_87 = arith.constant 0 : i32
      %dma_wait3A_88 = arith.constant 0 : i32
      %dma_wait3A_89 = tpu.memref_slice %arg7[%dma_wait3A_87, %dma_wait3A_88] : memref<128x64xf32, #tpu.memory_space<vmem>> -> memref<128x64xf32, #tpu.memory_space<vmem>>
      tpu.wait_dma2 semaphore(%run_scoped3A : memref<!tpu.dma_semaphore, #tpu.memory_space<semaphore_mem>>) src(%dma_wait3A_89 : memref<128x64xf32, #tpu.memory_space<vmem>>) dst(%dma_wait3A_86 : memref<128x64xf32, #tpu.memory_space<vmem_shared>>)
      tpu.yield
    }) : () -> ()
    %add3A_14 = arith.constant 512 : i32
    %add3A_15 = arith.addi %mul3A_6, %add3A_14 : i32
    "tpu.region"() ({
      %run_scoped3A = tpu.sem_alloc : memref<!tpu.dma_semaphore, #tpu.memory_space<semaphore_mem>>
      %dma_start3A_70 = arith.constant 0 : i32
      %dma_start3A_71 = arith.constant 0 : i32
      %dma_start3A_72 = tpu.memref_slice %arg7[%dma_start3A_70, %dma_start3A_71] : memref<128x64xf32, #tpu.memory_space<vmem>> -> memref<113x64xf32, #tpu.memory_space<vmem>>
      %dma_start3A_73 = arith.constant 0 : i32
      %dma_start3A_74 = tpu.memref_slice %arg15[%add3A_15, %dma_start3A_73] : memref<10000x64xf32, #tpu.memory_space<vmem_shared>> -> memref<113x64xf32, #tpu.memory_space<vmem_shared>>
      %dma_start3A_75 = arith.constant 0 : i32
      %dma_start3A_76 = tpu.memref_slice %arg15[%add3A_15, %dma_start3A_75] : memref<10000x64xf32, #tpu.memory_space<vmem_shared>> -> memref<113x64xf32, #tpu.memory_space<vmem_shared>>
      %dma_start3A_77 = arith.constant 0 : i32
      %dma_start3A_78 = arith.constant 0 : i32
      %dma_start3A_79 = tpu.memref_slice %arg7[%dma_start3A_77, %dma_start3A_78] : memref<128x64xf32, #tpu.memory_space<vmem>> -> memref<113x64xf32, #tpu.memory_space<vmem>>
      tpu.enqueue_dma source(%dma_start3A_79 : memref<113x64xf32, #tpu.memory_space<vmem>>) target(%dma_start3A_76 : memref<113x64xf32, #tpu.memory_space<vmem_shared>>) target_semaphore(%run_scoped3A : memref<!tpu.dma_semaphore, #tpu.memory_space<semaphore_mem>>)
      %dma_wait3A_80 = arith.constant 0 : i32
      %dma_wait3A_81 = arith.constant 0 : i32
      %dma_wait3A_82 = tpu.memref_slice %arg7[%dma_wait3A_80, %dma_wait3A_81] : memref<128x64xf32, #tpu.memory_space<vmem>> -> memref<113x64xf32, #tpu.memory_space<vmem>>
      %dma_wait3A_83 = arith.constant 0 : i32
      %dma_wait3A_84 = tpu.memref_slice %arg15[%add3A_15, %dma_wait3A_83] : memref<10000x64xf32, #tpu.memory_space<vmem_shared>> -> memref<113x64xf32, #tpu.memory_space<vmem_shared>>
      %dma_wait3A_85 = arith.constant 0 : i32
      %dma_wait3A_86 = tpu.memref_slice %arg15[%add3A_15, %dma_wait3A_85] : memref<10000x64xf32, #tpu.memory_space<vmem_shared>> -> memref<113x64xf32, #tpu.memory_space<vmem_shared>>
      %dma_wait3A_87 = arith.constant 0 : i32
      %dma_wait3A_88 = arith.constant 0 : i32
      %dma_wait3A_89 = tpu.memref_slice %arg7[%dma_wait3A_87, %dma_wait3A_88] : memref<128x64xf32, #tpu.memory_space<vmem>> -> memref<113x64xf32, #tpu.memory_space<vmem>>
      tpu.wait_dma2 semaphore(%run_scoped3A : memref<!tpu.dma_semaphore, #tpu.memory_space<semaphore_mem>>) src(%dma_wait3A_89 : memref<113x64xf32, #tpu.memory_space<vmem>>) dst(%dma_wait3A_86 : memref<113x64xf32, #tpu.memory_space<vmem_shared>>)
      tpu.yield
    }) : () -> ()
    %mul3A_16 = arith.constant 640 : i32
    %mul3A_17 = arith.muli %arg1, %mul3A_16 : i32
    %add3A_18 = arith.constant 0 : i32
    %add3A_19 = arith.addi %mul3A_17, %add3A_18 : i32
    "tpu.region"() ({
      %run_scoped3A = tpu.sem_alloc : memref<!tpu.dma_semaphore, #tpu.memory_space<semaphore_mem>>
      %dma_start3A_70 = arith.constant 0 : i32
      %dma_start3A_71 = tpu.memref_slice %arg16[%add3A_19, %dma_start3A_70] : memref<10240x16xf32, #tpu.memory_space<vmem_shared>> -> memref<128x16xf32, #tpu.memory_space<vmem_shared>>
      %dma_start3A_72 = arith.constant 0 : i32
      %dma_start3A_73 = tpu.memref_slice %arg16[%add3A_19, %dma_start3A_72] : memref<10240x16xf32, #tpu.memory_space<vmem_shared>> -> memref<128x16xf32, #tpu.memory_space<vmem_shared>>
      tpu.enqueue_dma source(%arg9 : memref<128x16xf32, #tpu.memory_space<vmem>>) target(%dma_start3A_73 : memref<128x16xf32, #tpu.memory_space<vmem_shared>>) target_semaphore(%run_scoped3A : memref<!tpu.dma_semaphore, #tpu.memory_space<semaphore_mem>>)
      %dma_wait3A_74 = arith.constant 0 : i32
      %dma_wait3A_75 = tpu.memref_slice %arg16[%add3A_19, %dma_wait3A_74] : memref<10240x16xf32, #tpu.memory_space<vmem_shared>> -> memref<128x16xf32, #tpu.memory_space<vmem_shared>>
      %dma_wait3A_76 = arith.constant 0 : i32
      %dma_wait3A_77 = tpu.memref_slice %arg16[%add3A_19, %dma_wait3A_76] : memref<10240x16xf32, #tpu.memory_space<vmem_shared>> -> memref<128x16xf32, #tpu.memory_space<vmem_shared>>
      tpu.wait_dma2 semaphore(%run_scoped3A : memref<!tpu.dma_semaphore, #tpu.memory_space<semaphore_mem>>) src(%arg9 : memref<128x16xf32, #tpu.memory_space<vmem>>) dst(%dma_wait3A_77 : memref<128x16xf32, #tpu.memory_space<vmem_shared>>)
      tpu.yield
    }) : () -> ()
    %add3A_20 = arith.constant 128 : i32
    %add3A_21 = arith.addi %mul3A_17, %add3A_20 : i32
    "tpu.region"() ({
      %run_scoped3A = tpu.sem_alloc : memref<!tpu.dma_semaphore, #tpu.memory_space<semaphore_mem>>
      %dma_start3A_70 = arith.constant 0 : i32
      %dma_start3A_71 = tpu.memref_slice %arg16[%add3A_21, %dma_start3A_70] : memref<10240x16xf32, #tpu.memory_space<vmem_shared>> -> memref<128x16xf32, #tpu.memory_space<vmem_shared>>
      %dma_start3A_72 = arith.constant 0 : i32
      %dma_start3A_73 = tpu.memref_slice %arg16[%add3A_21, %dma_start3A_72] : memref<10240x16xf32, #tpu.memory_space<vmem_shared>> -> memref<128x16xf32, #tpu.memory_space<vmem_shared>>
      tpu.enqueue_dma source(%arg9 : memref<128x16xf32, #tpu.memory_space<vmem>>) target(%dma_start3A_73 : memref<128x16xf32, #tpu.memory_space<vmem_shared>>) target_semaphore(%run_scoped3A : memref<!tpu.dma_semaphore, #tpu.memory_space<semaphore_mem>>)
      %dma_wait3A_74 = arith.constant 0 : i32
      %dma_wait3A_75 = tpu.memref_slice %arg16[%add3A_21, %dma_wait3A_74] : memref<10240x16xf32, #tpu.memory_space<vmem_shared>> -> memref<128x16xf32, #tpu.memory_space<vmem_shared>>
      %dma_wait3A_76 = arith.constant 0 : i32
      %dma_wait3A_77 = tpu.memref_slice %arg16[%add3A_21, %dma_wait3A_76] : memref<10240x16xf32, #tpu.memory_space<vmem_shared>> -> memref<128x16xf32, #tpu.memory_space<vmem_shared>>
      tpu.wait_dma2 semaphore(%run_scoped3A : memref<!tpu.dma_semaphore, #tpu.memory_space<semaphore_mem>>) src(%arg9 : memref<128x16xf32, #tpu.memory_space<vmem>>) dst(%dma_wait3A_77 : memref<128x16xf32, #tpu.memory_space<vmem_shared>>)
      tpu.yield
    }) : () -> ()
    %add3A_22 = arith.constant 256 : i32
    %add3A_23 = arith.addi %mul3A_17, %add3A_22 : i32
    "tpu.region"() ({
      %run_scoped3A = tpu.sem_alloc : memref<!tpu.dma_semaphore, #tpu.memory_space<semaphore_mem>>
      %dma_start3A_70 = arith.constant 0 : i32
      %dma_start3A_71 = tpu.memref_slice %arg16[%add3A_23, %dma_start3A_70] : memref<10240x16xf32, #tpu.memory_space<vmem_shared>> -> memref<128x16xf32, #tpu.memory_space<vmem_shared>>
      %dma_start3A_72 = arith.constant 0 : i32
      %dma_start3A_73 = tpu.memref_slice %arg16[%add3A_23, %dma_start3A_72] : memref<10240x16xf32, #tpu.memory_space<vmem_shared>> -> memref<128x16xf32, #tpu.memory_space<vmem_shared>>
      tpu.enqueue_dma source(%arg9 : memref<128x16xf32, #tpu.memory_space<vmem>>) target(%dma_start3A_73 : memref<128x16xf32, #tpu.memory_space<vmem_shared>>) target_semaphore(%run_scoped3A : memref<!tpu.dma_semaphore, #tpu.memory_space<semaphore_mem>>)
      %dma_wait3A_74 = arith.constant 0 : i32
      %dma_wait3A_75 = tpu.memref_slice %arg16[%add3A_23, %dma_wait3A_74] : memref<10240x16xf32, #tpu.memory_space<vmem_shared>> -> memref<128x16xf32, #tpu.memory_space<vmem_shared>>
      %dma_wait3A_76 = arith.constant 0 : i32
      %dma_wait3A_77 = tpu.memref_slice %arg16[%add3A_23, %dma_wait3A_76] : memref<10240x16xf32, #tpu.memory_space<vmem_shared>> -> memref<128x16xf32, #tpu.memory_space<vmem_shared>>
      tpu.wait_dma2 semaphore(%run_scoped3A : memref<!tpu.dma_semaphore, #tpu.memory_space<semaphore_mem>>) src(%arg9 : memref<128x16xf32, #tpu.memory_space<vmem>>) dst(%dma_wait3A_77 : memref<128x16xf32, #tpu.memory_space<vmem_shared>>)
      tpu.yield
    }) : () -> ()
    %add3A_24 = arith.constant 384 : i32
    %add3A_25 = arith.addi %mul3A_17, %add3A_24 : i32
    "tpu.region"() ({
      %run_scoped3A = tpu.sem_alloc : memref<!tpu.dma_semaphore, #tpu.memory_space<semaphore_mem>>
      %dma_start3A_70 = arith.constant 0 : i32
      %dma_start3A_71 = tpu.memref_slice %arg16[%add3A_25, %dma_start3A_70] : memref<10240x16xf32, #tpu.memory_space<vmem_shared>> -> memref<128x16xf32, #tpu.memory_space<vmem_shared>>
      %dma_start3A_72 = arith.constant 0 : i32
      %dma_start3A_73 = tpu.memref_slice %arg16[%add3A_25, %dma_start3A_72] : memref<10240x16xf32, #tpu.memory_space<vmem_shared>> -> memref<128x16xf32, #tpu.memory_space<vmem_shared>>
      tpu.enqueue_dma source(%arg9 : memref<128x16xf32, #tpu.memory_space<vmem>>) target(%dma_start3A_73 : memref<128x16xf32, #tpu.memory_space<vmem_shared>>) target_semaphore(%run_scoped3A : memref<!tpu.dma_semaphore, #tpu.memory_space<semaphore_mem>>)
      %dma_wait3A_74 = arith.constant 0 : i32
      %dma_wait3A_75 = tpu.memref_slice %arg16[%add3A_25, %dma_wait3A_74] : memref<10240x16xf32, #tpu.memory_space<vmem_shared>> -> memref<128x16xf32, #tpu.memory_space<vmem_shared>>
      %dma_wait3A_76 = arith.constant 0 : i32
      %dma_wait3A_77 = tpu.memref_slice %arg16[%add3A_25, %dma_wait3A_76] : memref<10240x16xf32, #tpu.memory_space<vmem_shared>> -> memref<128x16xf32, #tpu.memory_space<vmem_shared>>
      tpu.wait_dma2 semaphore(%run_scoped3A : memref<!tpu.dma_semaphore, #tpu.memory_space<semaphore_mem>>) src(%arg9 : memref<128x16xf32, #tpu.memory_space<vmem>>) dst(%dma_wait3A_77 : memref<128x16xf32, #tpu.memory_space<vmem_shared>>)
      tpu.yield
    }) : () -> ()
    %add3A_26 = arith.constant 512 : i32
    %add3A_27 = arith.addi %mul3A_17, %add3A_26 : i32
    "tpu.region"() ({
      %run_scoped3A = tpu.sem_alloc : memref<!tpu.dma_semaphore, #tpu.memory_space<semaphore_mem>>
      %dma_start3A_70 = arith.constant 0 : i32
      %dma_start3A_71 = tpu.memref_slice %arg16[%add3A_27, %dma_start3A_70] : memref<10240x16xf32, #tpu.memory_space<vmem_shared>> -> memref<128x16xf32, #tpu.memory_space<vmem_shared>>
      %dma_start3A_72 = arith.constant 0 : i32
      %dma_start3A_73 = tpu.memref_slice %arg16[%add3A_27, %dma_start3A_72] : memref<10240x16xf32, #tpu.memory_space<vmem_shared>> -> memref<128x16xf32, #tpu.memory_space<vmem_shared>>
      tpu.enqueue_dma source(%arg9 : memref<128x16xf32, #tpu.memory_space<vmem>>) target(%dma_start3A_73 : memref<128x16xf32, #tpu.memory_space<vmem_shared>>) target_semaphore(%run_scoped3A : memref<!tpu.dma_semaphore, #tpu.memory_space<semaphore_mem>>)
      %dma_wait3A_74 = arith.constant 0 : i32
      %dma_wait3A_75 = tpu.memref_slice %arg16[%add3A_27, %dma_wait3A_74] : memref<10240x16xf32, #tpu.memory_space<vmem_shared>> -> memref<128x16xf32, #tpu.memory_space<vmem_shared>>
      %dma_wait3A_76 = arith.constant 0 : i32
      %dma_wait3A_77 = tpu.memref_slice %arg16[%add3A_27, %dma_wait3A_76] : memref<10240x16xf32, #tpu.memory_space<vmem_shared>> -> memref<128x16xf32, #tpu.memory_space<vmem_shared>>
      tpu.wait_dma2 semaphore(%run_scoped3A : memref<!tpu.dma_semaphore, #tpu.memory_space<semaphore_mem>>) src(%arg9 : memref<128x16xf32, #tpu.memory_space<vmem>>) dst(%dma_wait3A_77 : memref<128x16xf32, #tpu.memory_space<vmem_shared>>)
      tpu.yield
    }) : () -> ()
    %scan3A_28 = arith.constant 0 : i32
    %scan3A_29 = arith.constant 0 : i32
    %scan3A_30 = arith.constant 128 : i32
    %scan3A_31 = arith.addi %scan3A_29, %scan3A_30 : i32
    %scan3A_32 = arith.constant 1 : i32
    %scan3A_33 = scf.for %scan3A_70 = %scan3A_29 to %scan3A_31 step %scan3A_32 iter_args(%scan3A_71 = %scan3A_28) -> (i32)  : i32 {
      %broadcast_in_dim3A = arith.constant 1.000000e+00 : f32
      %broadcast_in_dim3A_72 = vector.broadcast %broadcast_in_dim3A : f32 to vector<16xf32>
      %swap3A = arith.index_cast %scan3A_70 : i32 to index
      %swap3A_73 = arith.constant 0 : index
      %swap3A_74 = tpu.vector_load %arg9[%swap3A, %swap3A_73] {strides = array<i32>} : memref<128x16xf32, #tpu.memory_space<vmem>>, vector<1x16xf32>,
      %swap3A_75 = vector.shape_cast %swap3A_74 : vector<1x16xf32> to vector<16xf32>
      %swap3A_76 = vector.shape_cast %broadcast_in_dim3A_72 : vector<16xf32> to vector<1x16xf32>
      tpu.vector_store %arg9[%swap3A, %swap3A_73], %swap3A_76 {strides = array<i32>} : memref<128x16xf32, #tpu.memory_space<vmem>>, vector<1x16xf32>,
      %scan3A_77 = arith.constant 0 : i32
      scf.yield %scan3A_77 : i32
    }
    %scan3A_34 = arith.constant 128 : i32
    %mul3A_35 = arith.constant 156 : i32
    %mul3A_36 = arith.muli %arg1, %mul3A_35 : i32
    %min3A = arith.constant 4 : i32
    %min3A_37 = arith.minsi %arg1, %min3A : i32
    %add3A_38 = arith.addi %mul3A_36, %min3A_37 : i32
    "tpu.region"() ({
      %run_scoped3A = tpu.sem_alloc : memref<!tpu.dma_semaphore, #tpu.memory_space<semaphore_mem>>
      %dma_start3A_70 = arith.constant 0 : i32
      %dma_start3A_71 = tpu.memref_slice %arg3[%add3A_38, %dma_start3A_70] : memref<2504x128xi32, #tpu.memory_space<hbm>> -> memref<160x128xi32, #tpu.memory_space<hbm>>
      %dma_start3A_72 = arith.constant 0 : i32
      %dma_start3A_73 = tpu.memref_slice %arg3[%add3A_38, %dma_start3A_72] : memref<2504x128xi32, #tpu.memory_space<hbm>> -> memref<160x128xi32, #tpu.memory_space<hbm>>
      tpu.enqueue_dma source(%dma_start3A_73 : memref<160x128xi32, #tpu.memory_space<hbm>>) target(%arg6 : memref<160x128xi32, #tpu.memory_space<vmem>>) target_semaphore(%run_scoped3A : memref<!tpu.dma_semaphore, #tpu.memory_space<semaphore_mem>>)
      %dma_wait3A_74 = arith.constant 0 : i32
      %dma_wait3A_75 = tpu.memref_slice %arg3[%add3A_38, %dma_wait3A_74] : memref<2504x128xi32, #tpu.memory_space<hbm>> -> memref<160x128xi32, #tpu.memory_space<hbm>>
      %dma_wait3A_76 = arith.constant 0 : i32
      %dma_wait3A_77 = tpu.memref_slice %arg3[%add3A_38, %dma_wait3A_76] : memref<2504x128xi32, #tpu.memory_space<hbm>> -> memref<160x128xi32, #tpu.memory_space<hbm>>
      tpu.wait_dma2 semaphore(%run_scoped3A : memref<!tpu.dma_semaphore, #tpu.memory_space<semaphore_mem>>) src(%dma_wait3A_77 : memref<160x128xi32, #tpu.memory_space<hbm>>) dst(%arg6 : memref<160x128xi32, #tpu.memory_space<vmem>>)
      tpu.yield
    }) : () -> ()
    %barrier3A = arith.constant 0 : index
    tpu.barrier barrier_id(%barrier3A)
    %mul3A_39 = arith.constant 128 : i32
    %mul3A_40 = arith.muli %add3A_38, %mul3A_39 : i32
    %mul3A_41 = arith.constant 64 : i32
    %mul3A_42 = arith.muli %arg0, %mul3A_41 : i32
    %dma_start3A = tpu.memref_slice %arg2[%mul3A_40, %mul3A_42] : memref<320000x128xf32, #tpu.memory_space<hbm>> -> memref<128x64xf32, #tpu.memory_space<hbm>>
    %dma_start3A_43 = tpu.memref_slice %arg2[%mul3A_40, %mul3A_42] : memref<320000x128xf32, #tpu.memory_space<hbm>> -> memref<128x64xf32, #tpu.memory_space<hbm>>
    tpu.enqueue_dma source(%dma_start3A_43 : memref<128x64xf32, #tpu.memory_space<hbm>>) target(%arg7 : memref<128x64xf32, #tpu.memory_space<vmem>>) target_semaphore(%arg10 : memref<!tpu.dma_semaphore, #tpu.memory_space<semaphore_mem>>)
    %add3A_44 = arith.constant 1 : i32
    %add3A_45 = arith.addi %add3A_38, %add3A_44 : i32
    %mul3A_46 = arith.constant 128 : i32
    %mul3A_47 = arith.muli %add3A_45, %mul3A_46 : i32
    %mul3A_48 = arith.constant 64 : i32
    %mul3A_49 = arith.muli %arg0, %mul3A_48 : i32
    %dma_start3A_50 = tpu.memref_slice %arg2[%mul3A_47, %mul3A_49] : memref<320000x128xf32, #tpu.memory_space<hbm>> -> memref<128x64xf32, #tpu.memory_space<hbm>>
    %dma_start3A_51 = tpu.memref_slice %arg2[%mul3A_47, %mul3A_49] : memref<320000x128xf32, #tpu.memory_space<hbm>> -> memref<128x64xf32, #tpu.memory_space<hbm>>
    tpu.enqueue_dma source(%dma_start3A_51 : memref<128x64xf32, #tpu.memory_space<hbm>>) target(%arg8 : memref<128x64xf32, #tpu.memory_space<vmem>>) target_semaphore(%arg11 : memref<!tpu.dma_semaphore, #tpu.memory_space<semaphore_mem>>)
    %scan3A_52 = arith.constant 0 : i32
    %scan3A_53 = arith.constant 0 : i32
    %scan3A_54 = arith.constant 78 : i32
    %scan3A_55 = arith.addi %scan3A_53, %scan3A_54 : i32
    %scan3A_56 = arith.constant 1 : i32
    %scan3A_57 = scf.for %scan3A_70 = %scan3A_53 to %scan3A_55 step %scan3A_56 iter_args(%scan3A_71 = %scan3A_52) -> (i32)  : i32 {
      %mul3A_72 = arith.constant 2 : i32
      %mul3A_73 = arith.muli %mul3A_72, %scan3A_70 : i32
      %dma_wait3A_74 = arith.constant 0 : i32
      %dma_wait3A_75 = arith.constant 0 : i32
      %dma_wait3A_76 = tpu.memref_slice %arg2[%dma_wait3A_74, %dma_wait3A_75] : memref<320000x128xf32, #tpu.memory_space<hbm>> -> memref<128x64xf32, #tpu.memory_space<hbm>>
      %dma_wait3A_77 = arith.constant 0 : i32
      %dma_wait3A_78 = arith.constant 0 : i32
      %dma_wait3A_79 = tpu.memref_slice %arg2[%dma_wait3A_77, %dma_wait3A_78] : memref<320000x128xf32, #tpu.memory_space<hbm>> -> memref<128x64xf32, #tpu.memory_space<hbm>>
      tpu.wait_dma2 semaphore(%arg10 : memref<!tpu.dma_semaphore, #tpu.memory_space<semaphore_mem>>) src(%dma_wait3A_79 : memref<128x64xf32, #tpu.memory_space<hbm>>) dst(%arg7 : memref<128x64xf32, #tpu.memory_space<vmem>>)
      %dma_start3A_80 = arith.constant 0 : i32
      %dma_start3A_81 = tpu.memref_slice %arg6[%mul3A_73, %dma_start3A_80] : memref<160x128xi32, #tpu.memory_space<vmem>> -> memref<1x128xi32, #tpu.memory_space<vmem>>
      %dma_start3A_82 = tpu.memref_squeeze %dma_start3A_81 : memref<1x128xi32, #tpu.memory_space<vmem>> -> memref<128xi32, #tpu.memory_space<vmem>>
      %dma_start3A_83 = arith.constant 0 : i32
      %dma_start3A_84 = arith.constant 0 : i32
      %dma_start3A_85 = tpu.memref_slice %arg15[%dma_start3A_83, %dma_start3A_84] : memref<10000x64xf32, #tpu.memory_space<vmem_shared>> -> memref<10000x64xf32, #tpu.memory_space<vmem_shared>>
      tpu.enqueue_indirect_dma source(%arg7 : memref<128x64xf32, #tpu.memory_space<vmem>>) target(%dma_start3A_85 : memref<10000x64xf32, #tpu.memory_space<vmem_shared>>) offsets(%dma_start3A_82 : memref<128xi32, #tpu.memory_space<vmem>>) semaphore(%arg12 : memref<!tpu.dma_semaphore, #tpu.memory_space<semaphore_mem>>) {add = true}
      %eq3A = arith.constant 0 : i32
      %eq3A_86 = arith.cmpi eq, %arg0, %eq3A : i32
      %convert_element_type3A_87 = arith.extui %eq3A_86 : i1 to i32
      %cond3A_88 = arith.constant 0 : i32
      %cond3A_89 = arith.cmpi ne, %convert_element_type3A_87, %cond3A_88 : i32
      scf.if %cond3A_89 {
        %gt3A = arith.constant 0 : i32
        %gt3A_134 = arith.cmpi sgt, %scan3A_70, %gt3A : i32
        %convert_element_type3A_135 = arith.extui %gt3A_134 : i1 to i32
        %cond3A_136 = arith.constant 0 : i32
        %cond3A_137 = arith.cmpi ne, %convert_element_type3A_135, %cond3A_136 : i32
        scf.if %cond3A_137 {
          %dma_wait3A_144 = arith.constant 0 : i32
          %dma_wait3A_145 = arith.constant 0 : i32
          %dma_wait3A_146 = tpu.memref_slice %arg6[%dma_wait3A_144, %dma_wait3A_145] : memref<160x128xi32, #tpu.memory_space<vmem>> -> memref<1x128xi32, #tpu.memory_space<vmem>>
          %dma_wait3A_147 = tpu.memref_squeeze %dma_wait3A_146 : memref<1x128xi32, #tpu.memory_space<vmem>> -> memref<128xi32, #tpu.memory_space<vmem>>
          %dma_wait3A_148 = arith.constant 0 : i32
          %dma_wait3A_149 = arith.constant 0 : i32
          %dma_wait3A_150 = tpu.memref_slice %arg16[%dma_wait3A_148, %dma_wait3A_149] : memref<10240x16xf32, #tpu.memory_space<vmem_shared>> -> memref<10240x16xf32, #tpu.memory_space<vmem_shared>>
          tpu.wait_indirect_dma semaphore(%arg14 : memref<!tpu.dma_semaphore, #tpu.memory_space<semaphore_mem>>) src(%arg9 : memref<128x16xf32, #tpu.memory_space<vmem>>) dst(%dma_wait3A_150 : memref<10240x16xf32, #tpu.memory_space<vmem_shared>>)
        } else {
        }
        %dma_start3A_138 = arith.constant 0 : i32
        %dma_start3A_139 = tpu.memref_slice %arg6[%mul3A_73, %dma_start3A_138] : memref<160x128xi32, #tpu.memory_space<vmem>> -> memref<1x128xi32, #tpu.memory_space<vmem>>
        %dma_start3A_140 = tpu.memref_squeeze %dma_start3A_139 : memref<1x128xi32, #tpu.memory_space<vmem>> -> memref<128xi32, #tpu.memory_space<vmem>>
        %dma_start3A_141 = arith.constant 0 : i32
        %dma_start3A_142 = arith.constant 0 : i32
        %dma_start3A_143 = tpu.memref_slice %arg16[%dma_start3A_141, %dma_start3A_142] : memref<10240x16xf32, #tpu.memory_space<vmem_shared>> -> memref<10240x16xf32, #tpu.memory_space<vmem_shared>>
        tpu.enqueue_indirect_dma source(%arg9 : memref<128x16xf32, #tpu.memory_space<vmem>>) target(%dma_start3A_143 : memref<10240x16xf32, #tpu.memory_space<vmem_shared>>) offsets(%dma_start3A_140 : memref<128xi32, #tpu.memory_space<vmem>>) semaphore(%arg14 : memref<!tpu.dma_semaphore, #tpu.memory_space<semaphore_mem>>) {add = true}
      } else {
      }
      %dma_wait3A_90 = arith.constant 0 : i32
      %dma_wait3A_91 = arith.constant 0 : i32
      %dma_wait3A_92 = tpu.memref_slice %arg2[%dma_wait3A_90, %dma_wait3A_91] : memref<320000x128xf32, #tpu.memory_space<hbm>> -> memref<128x64xf32, #tpu.memory_space<hbm>>
      %dma_wait3A_93 = arith.constant 0 : i32
      %dma_wait3A_94 = arith.constant 0 : i32
      %dma_wait3A_95 = tpu.memref_slice %arg2[%dma_wait3A_93, %dma_wait3A_94] : memref<320000x128xf32, #tpu.memory_space<hbm>> -> memref<128x64xf32, #tpu.memory_space<hbm>>
      tpu.wait_dma2 semaphore(%arg11 : memref<!tpu.dma_semaphore, #tpu.memory_space<semaphore_mem>>) src(%dma_wait3A_95 : memref<128x64xf32, #tpu.memory_space<hbm>>) dst(%arg8 : memref<128x64xf32, #tpu.memory_space<vmem>>)
      %add3A_96 = arith.constant 1 : i32
      %add3A_97 = arith.addi %mul3A_73, %add3A_96 : i32
      %dma_start3A_98 = arith.constant 0 : i32
      %dma_start3A_99 = tpu.memref_slice %arg6[%add3A_97, %dma_start3A_98] : memref<160x128xi32, #tpu.memory_space<vmem>> -> memref<1x128xi32, #tpu.memory_space<vmem>>
      %dma_start3A_100 = tpu.memref_squeeze %dma_start3A_99 : memref<1x128xi32, #tpu.memory_space<vmem>> -> memref<128xi32, #tpu.memory_space<vmem>>
      %dma_start3A_101 = arith.constant 0 : i32
      %dma_start3A_102 = arith.constant 0 : i32
      %dma_start3A_103 = tpu.memref_slice %arg15[%dma_start3A_101, %dma_start3A_102] : memref<10000x64xf32, #tpu.memory_space<vmem_shared>> -> memref<10000x64xf32, #tpu.memory_space<vmem_shared>>
      tpu.enqueue_indirect_dma source(%arg8 : memref<128x64xf32, #tpu.memory_space<vmem>>) target(%dma_start3A_103 : memref<10000x64xf32, #tpu.memory_space<vmem_shared>>) offsets(%dma_start3A_100 : memref<128xi32, #tpu.memory_space<vmem>>) semaphore(%arg13 : memref<!tpu.dma_semaphore, #tpu.memory_space<semaphore_mem>>) {add = true}
      %eq3A_104 = arith.constant 1 : i32
      %eq3A_105 = arith.cmpi eq, %arg0, %eq3A_104 : i32
      %convert_element_type3A_106 = arith.extui %eq3A_105 : i1 to i32
      %cond3A_107 = arith.constant 0 : i32
      %cond3A_108 = arith.cmpi ne, %convert_element_type3A_106, %cond3A_107 : i32
      scf.if %cond3A_108 {
        %gt3A = arith.constant 0 : i32
        %gt3A_134 = arith.cmpi sgt, %scan3A_70, %gt3A : i32
        %convert_element_type3A_135 = arith.extui %gt3A_134 : i1 to i32
        %cond3A_136 = arith.constant 0 : i32
        %cond3A_137 = arith.cmpi ne, %convert_element_type3A_135, %cond3A_136 : i32
        scf.if %cond3A_137 {
          %dma_wait3A_146 = arith.constant 0 : i32
          %dma_wait3A_147 = arith.constant 0 : i32
          %dma_wait3A_148 = tpu.memref_slice %arg6[%dma_wait3A_146, %dma_wait3A_147] : memref<160x128xi32, #tpu.memory_space<vmem>> -> memref<1x128xi32, #tpu.memory_space<vmem>>
          %dma_wait3A_149 = tpu.memref_squeeze %dma_wait3A_148 : memref<1x128xi32, #tpu.memory_space<vmem>> -> memref<128xi32, #tpu.memory_space<vmem>>
          %dma_wait3A_150 = arith.constant 0 : i32
          %dma_wait3A_151 = arith.constant 0 : i32
          %dma_wait3A_152 = tpu.memref_slice %arg16[%dma_wait3A_150, %dma_wait3A_151] : memref<10240x16xf32, #tpu.memory_space<vmem_shared>> -> memref<10240x16xf32, #tpu.memory_space<vmem_shared>>
          tpu.wait_indirect_dma semaphore(%arg14 : memref<!tpu.dma_semaphore, #tpu.memory_space<semaphore_mem>>) src(%arg9 : memref<128x16xf32, #tpu.memory_space<vmem>>) dst(%dma_wait3A_152 : memref<10240x16xf32, #tpu.memory_space<vmem_shared>>)
        } else {
        }
        %add3A_138 = arith.constant 1 : i32
        %add3A_139 = arith.addi %mul3A_73, %add3A_138 : i32
        %dma_start3A_140 = arith.constant 0 : i32
        %dma_start3A_141 = tpu.memref_slice %arg6[%add3A_139, %dma_start3A_140] : memref<160x128xi32, #tpu.memory_space<vmem>> -> memref<1x128xi32, #tpu.memory_space<vmem>>
        %dma_start3A_142 = tpu.memref_squeeze %dma_start3A_141 : memref<1x128xi32, #tpu.memory_space<vmem>> -> memref<128xi32, #tpu.memory_space<vmem>>
        %dma_start3A_143 = arith.constant 0 : i32
        %dma_start3A_144 = arith.constant 0 : i32
        %dma_start3A_145 = tpu.memref_slice %arg16[%dma_start3A_143, %dma_start3A_144] : memref<10240x16xf32, #tpu.memory_space<vmem_shared>> -> memref<10240x16xf32, #tpu.memory_space<vmem_shared>>
        tpu.enqueue_indirect_dma source(%arg9 : memref<128x16xf32, #tpu.memory_space<vmem>>) target(%dma_start3A_145 : memref<10240x16xf32, #tpu.memory_space<vmem_shared>>) offsets(%dma_start3A_142 : memref<128xi32, #tpu.memory_space<vmem>>) semaphore(%arg14 : memref<!tpu.dma_semaphore, #tpu.memory_space<semaphore_mem>>) {add = true}
      } else {
      }
      %dma_wait3A_109 = arith.constant 0 : i32
      %dma_wait3A_110 = arith.constant 0 : i32
      %dma_wait3A_111 = tpu.memref_slice %arg6[%dma_wait3A_109, %dma_wait3A_110] : memref<160x128xi32, #tpu.memory_space<vmem>> -> memref<1x128xi32, #tpu.memory_space<vmem>>
      %dma_wait3A_112 = tpu.memref_squeeze %dma_wait3A_111 : memref<1x128xi32, #tpu.memory_space<vmem>> -> memref<128xi32, #tpu.memory_space<vmem>>
      %dma_wait3A_113 = arith.constant 0 : i32
      %dma_wait3A_114 = arith.constant 0 : i32
      %dma_wait3A_115 = tpu.memref_slice %arg15[%dma_wait3A_113, %dma_wait3A_114] : memref<10000x64xf32, #tpu.memory_space<vmem_shared>> -> memref<10000x64xf32, #tpu.memory_space<vmem_shared>>
      tpu.wait_indirect_dma semaphore(%arg12 : memref<!tpu.dma_semaphore, #tpu.memory_space<semaphore_mem>>) src(%arg7 : memref<128x64xf32, #tpu.memory_space<vmem>>) dst(%dma_wait3A_115 : memref<10000x64xf32, #tpu.memory_space<vmem_shared>>)
      %lt3A_116 = arith.constant 77 : i32
      %lt3A_117 = arith.cmpi slt, %scan3A_70, %lt3A_116 : i32
      %convert_element_type3A_118 = arith.extui %lt3A_117 : i1 to i32
      %cond3A_119 = arith.constant 0 : i32
      %cond3A_120 = arith.cmpi ne, %convert_element_type3A_118, %cond3A_119 : i32
      scf.if %cond3A_120 {
        %add3A_134 = arith.addi %add3A_38, %mul3A_73 : i32
        %add3A_135 = arith.constant 2 : i32
        %add3A_136 = arith.addi %add3A_134, %add3A_135 : i32
        %mul3A_137 = arith.constant 128 : i32
        %mul3A_138 = arith.muli %add3A_136, %mul3A_137 : i32
        %mul3A_139 = arith.constant 64 : i32
        %mul3A_140 = arith.muli %arg0, %mul3A_139 : i32
        %dma_start3A_141 = tpu.memref_slice %arg2[%mul3A_138, %mul3A_140] : memref<320000x128xf32, #tpu.memory_space<hbm>> -> memref<128x64xf32, #tpu.memory_space<hbm>>
        %dma_start3A_142 = tpu.memref_slice %arg2[%mul3A_138, %mul3A_140] : memref<320000x128xf32, #tpu.memory_space<hbm>> -> memref<128x64xf32, #tpu.memory_space<hbm>>
        tpu.enqueue_dma source(%dma_start3A_142 : memref<128x64xf32, #tpu.memory_space<hbm>>) target(%arg7 : memref<128x64xf32, #tpu.memory_space<vmem>>) target_semaphore(%arg10 : memref<!tpu.dma_semaphore, #tpu.memory_space<semaphore_mem>>)
      } else {
      }
      %dma_wait3A_121 = arith.constant 0 : i32
      %dma_wait3A_122 = arith.constant 0 : i32
      %dma_wait3A_123 = tpu.memref_slice %arg6[%dma_wait3A_121, %dma_wait3A_122] : memref<160x128xi32, #tpu.memory_space<vmem>> -> memref<1x128xi32, #tpu.memory_space<vmem>>
      %dma_wait3A_124 = tpu.memref_squeeze %dma_wait3A_123 : memref<1x128xi32, #tpu.memory_space<vmem>> -> memref<128xi32, #tpu.memory_space<vmem>>
      %dma_wait3A_125 = arith.constant 0 : i32
      %dma_wait3A_126 = arith.constant 0 : i32
      %dma_wait3A_127 = tpu.memref_slice %arg15[%dma_wait3A_125, %dma_wait3A_126] : memref<10000x64xf32, #tpu.memory_space<vmem_shared>> -> memref<10000x64xf32, #tpu.memory_space<vmem_shared>>
      tpu.wait_indirect_dma semaphore(%arg13 : memref<!tpu.dma_semaphore, #tpu.memory_space<semaphore_mem>>) src(%arg8 : memref<128x64xf32, #tpu.memory_space<vmem>>) dst(%dma_wait3A_127 : memref<10000x64xf32, #tpu.memory_space<vmem_shared>>)
      %lt3A_128 = arith.constant 77 : i32
      %lt3A_129 = arith.cmpi slt, %scan3A_70, %lt3A_128 : i32
      %convert_element_type3A_130 = arith.extui %lt3A_129 : i1 to i32
      %cond3A_131 = arith.constant 0 : i32
      %cond3A_132 = arith.cmpi ne, %convert_element_type3A_130, %cond3A_131 : i32
      scf.if %cond3A_132 {
        %add3A_134 = arith.addi %add3A_38, %mul3A_73 : i32
        %add3A_135 = arith.constant 3 : i32
        %add3A_136 = arith.addi %add3A_134, %add3A_135 : i32
        %mul3A_137 = arith.constant 128 : i32
        %mul3A_138 = arith.muli %add3A_136, %mul3A_137 : i32
        %mul3A_139 = arith.constant 64 : i32
        %mul3A_140 = arith.muli %arg0, %mul3A_139 : i32
        %dma_start3A_141 = tpu.memref_slice %arg2[%mul3A_138, %mul3A_140] : memref<320000x128xf32, #tpu.memory_space<hbm>> -> memref<128x64xf32, #tpu.memory_space<hbm>>
        %dma_start3A_142 = tpu.memref_slice %arg2[%mul3A_138, %mul3A_140] : memref<320000x128xf32, #tpu.memory_space<hbm>> -> memref<128x64xf32, #tpu.memory_space<hbm>>
        tpu.enqueue_dma source(%dma_start3A_142 : memref<128x64xf32, #tpu.memory_space<hbm>>) target(%arg8 : memref<128x64xf32, #tpu.memory_space<vmem>>) target_semaphore(%arg11 : memref<!tpu.dma_semaphore, #tpu.memory_space<semaphore_mem>>)
      } else {
      }
      %scan3A_133 = arith.constant 0 : i32
      scf.yield %scan3A_133 : i32
    }
    %scan3A_58 = arith.constant 78 : i32
    %dma_wait3A = arith.constant 0 : i32
    %dma_wait3A_59 = arith.constant 0 : i32
    %dma_wait3A_60 = tpu.memref_slice %arg6[%dma_wait3A, %dma_wait3A_59] : memref<160x128xi32, #tpu.memory_space<vmem>> -> memref<1x128xi32, #tpu.memory_space<vmem>>
    %dma_wait3A_61 = tpu.memref_squeeze %dma_wait3A_60 : memref<1x128xi32, #tpu.memory_space<vmem>> -> memref<128xi32, #tpu.memory_space<vmem>>
    %dma_wait3A_62 = arith.constant 0 : i32
    %dma_wait3A_63 = arith.constant 0 : i32
    %dma_wait3A_64 = tpu.memref_slice %arg16[%dma_wait3A_62, %dma_wait3A_63] : memref<10240x16xf32, #tpu.memory_space<vmem_shared>> -> memref<10240x16xf32, #tpu.memory_space<vmem_shared>>
    tpu.wait_indirect_dma semaphore(%arg14 : memref<!tpu.dma_semaphore, #tpu.memory_space<semaphore_mem>>) src(%arg9 : memref<128x16xf32, #tpu.memory_space<vmem>>) dst(%dma_wait3A_64 : memref<10240x16xf32, #tpu.memory_space<vmem_shared>>)
    %lt3A = arith.constant 4 : i32
    %lt3A_65 = arith.cmpi slt, %arg1, %lt3A : i32
    %convert_element_type3A = arith.extui %lt3A_65 : i1 to i32
    %cond3A = arith.constant 0 : i32
    %cond3A_66 = arith.cmpi ne, %convert_element_type3A, %cond3A : i32
    scf.if %cond3A_66 {
      %add3A_70 = arith.constant 156 : i32
      %add3A_71 = arith.addi %add3A_38, %add3A_70 : i32
      %mul3A_72 = arith.constant 128 : i32
      %mul3A_73 = arith.muli %add3A_71, %mul3A_72 : i32
      %mul3A_74 = arith.constant 64 : i32
      %mul3A_75 = arith.muli %arg0, %mul3A_74 : i32
      %dma_start3A_76 = tpu.memref_slice %arg2[%mul3A_73, %mul3A_75] : memref<320000x128xf32, #tpu.memory_space<hbm>> -> memref<128x64xf32, #tpu.memory_space<hbm>>
      %dma_start3A_77 = tpu.memref_slice %arg2[%mul3A_73, %mul3A_75] : memref<320000x128xf32, #tpu.memory_space<hbm>> -> memref<128x64xf32, #tpu.memory_space<hbm>>
      tpu.enqueue_dma source(%dma_start3A_77 : memref<128x64xf32, #tpu.memory_space<hbm>>) target(%arg7 : memref<128x64xf32, #tpu.memory_space<vmem>>) target_semaphore(%arg10 : memref<!tpu.dma_semaphore, #tpu.memory_space<semaphore_mem>>)
      %dma_wait3A_78 = arith.constant 0 : i32
      %dma_wait3A_79 = arith.constant 0 : i32
      %dma_wait3A_80 = tpu.memref_slice %arg2[%dma_wait3A_78, %dma_wait3A_79] : memref<320000x128xf32, #tpu.memory_space<hbm>> -> memref<128x64xf32, #tpu.memory_space<hbm>>
      %dma_wait3A_81 = arith.constant 0 : i32
      %dma_wait3A_82 = arith.constant 0 : i32
      %dma_wait3A_83 = tpu.memref_slice %arg2[%dma_wait3A_81, %dma_wait3A_82] : memref<320000x128xf32, #tpu.memory_space<hbm>> -> memref<128x64xf32, #tpu.memory_space<hbm>>
      tpu.wait_dma2 semaphore(%arg10 : memref<!tpu.dma_semaphore, #tpu.memory_space<semaphore_mem>>) src(%dma_wait3A_83 : memref<128x64xf32, #tpu.memory_space<hbm>>) dst(%arg7 : memref<128x64xf32, #tpu.memory_space<vmem>>)
      %run_scoped3A = arith.constant 156 : i32
      "tpu.region"() ({
        %run_scoped3A_88 = tpu.sem_alloc : memref<!tpu.dma_semaphore, #tpu.memory_space<semaphore_mem>>
        %dma_start3A_89 = arith.constant 0 : i32
        %dma_start3A_90 = tpu.memref_slice %arg6[%run_scoped3A, %dma_start3A_89] : memref<160x128xi32, #tpu.memory_space<vmem>> -> memref<1x128xi32, #tpu.memory_space<vmem>>
        %dma_start3A_91 = tpu.memref_squeeze %dma_start3A_90 : memref<1x128xi32, #tpu.memory_space<vmem>> -> memref<128xi32, #tpu.memory_space<vmem>>
        %dma_start3A_92 = arith.constant 0 : i32
        %dma_start3A_93 = arith.constant 0 : i32
        %dma_start3A_94 = tpu.memref_slice %arg15[%dma_start3A_92, %dma_start3A_93] : memref<10000x64xf32, #tpu.memory_space<vmem_shared>> -> memref<10000x64xf32, #tpu.memory_space<vmem_shared>>
        tpu.enqueue_indirect_dma source(%arg7 : memref<128x64xf32, #tpu.memory_space<vmem>>) target(%dma_start3A_94 : memref<10000x64xf32, #tpu.memory_space<vmem_shared>>) offsets(%dma_start3A_91 : memref<128xi32, #tpu.memory_space<vmem>>) semaphore(%run_scoped3A_88 : memref<!tpu.dma_semaphore, #tpu.memory_space<semaphore_mem>>) {add = true}
        %dma_wait3A_95 = arith.constant 0 : i32
        %dma_wait3A_96 = tpu.memref_slice %arg6[%run_scoped3A, %dma_wait3A_95] : memref<160x128xi32, #tpu.memory_space<vmem>> -> memref<1x128xi32, #tpu.memory_space<vmem>>
        %dma_wait3A_97 = tpu.memref_squeeze %dma_wait3A_96 : memref<1x128xi32, #tpu.memory_space<vmem>> -> memref<128xi32, #tpu.memory_space<vmem>>
        %dma_wait3A_98 = arith.constant 0 : i32
        %dma_wait3A_99 = arith.constant 0 : i32
        %dma_wait3A_100 = tpu.memref_slice %arg15[%dma_wait3A_98, %dma_wait3A_99] : memref<10000x64xf32, #tpu.memory_space<vmem_shared>> -> memref<10000x64xf32, #tpu.memory_space<vmem_shared>>
        tpu.wait_indirect_dma semaphore(%run_scoped3A_88 : memref<!tpu.dma_semaphore, #tpu.memory_space<semaphore_mem>>) src(%arg7 : memref<128x64xf32, #tpu.memory_space<vmem>>) dst(%dma_wait3A_100 : memref<10000x64xf32, #tpu.memory_space<vmem_shared>>)
        tpu.yield
      }) : () -> ()
      %eq3A = arith.constant 0 : i32
      %eq3A_84 = arith.cmpi eq, %arg0, %eq3A : i32
      %convert_element_type3A_85 = arith.extui %eq3A_84 : i1 to i32
      %cond3A_86 = arith.constant 0 : i32
      %cond3A_87 = arith.cmpi ne, %convert_element_type3A_85, %cond3A_86 : i32
      scf.if %cond3A_87 {
        %run_scoped3A_88 = arith.constant 156 : i32
        "tpu.region"() ({
          %run_scoped3A_89 = tpu.sem_alloc : memref<!tpu.dma_semaphore, #tpu.memory_space<semaphore_mem>>
          %dma_start3A_90 = arith.constant 0 : i32
          %dma_start3A_91 = tpu.memref_slice %arg6[%run_scoped3A_88, %dma_start3A_90] : memref<160x128xi32, #tpu.memory_space<vmem>> -> memref<1x128xi32, #tpu.memory_space<vmem>>
          %dma_start3A_92 = tpu.memref_squeeze %dma_start3A_91 : memref<1x128xi32, #tpu.memory_space<vmem>> -> memref<128xi32, #tpu.memory_space<vmem>>
          %dma_start3A_93 = arith.constant 0 : i32
          %dma_start3A_94 = arith.constant 0 : i32
          %dma_start3A_95 = tpu.memref_slice %arg16[%dma_start3A_93, %dma_start3A_94] : memref<10240x16xf32, #tpu.memory_space<vmem_shared>> -> memref<10240x16xf32, #tpu.memory_space<vmem_shared>>
          tpu.enqueue_indirect_dma source(%arg9 : memref<128x16xf32, #tpu.memory_space<vmem>>) target(%dma_start3A_95 : memref<10240x16xf32, #tpu.memory_space<vmem_shared>>) offsets(%dma_start3A_92 : memref<128xi32, #tpu.memory_space<vmem>>) semaphore(%run_scoped3A_89 : memref<!tpu.dma_semaphore, #tpu.memory_space<semaphore_mem>>) {add = true}
          %dma_wait3A_96 = arith.constant 0 : i32
          %dma_wait3A_97 = tpu.memref_slice %arg6[%run_scoped3A_88, %dma_wait3A_96] : memref<160x128xi32, #tpu.memory_space<vmem>> -> memref<1x128xi32, #tpu.memory_space<vmem>>
          %dma_wait3A_98 = tpu.memref_squeeze %dma_wait3A_97 : memref<1x128xi32, #tpu.memory_space<vmem>> -> memref<128xi32, #tpu.memory_space<vmem>>
          %dma_wait3A_99 = arith.constant 0 : i32
          %dma_wait3A_100 = arith.constant 0 : i32
          %dma_wait3A_101 = tpu.memref_slice %arg16[%dma_wait3A_99, %dma_wait3A_100] : memref<10240x16xf32, #tpu.memory_space<vmem_shared>> -> memref<10240x16xf32, #tpu.memory_space<vmem_shared>>
          tpu.wait_indirect_dma semaphore(%run_scoped3A_89 : memref<!tpu.dma_semaphore, #tpu.memory_space<semaphore_mem>>) src(%arg9 : memref<128x16xf32, #tpu.memory_space<vmem>>) dst(%dma_wait3A_101 : memref<10240x16xf32, #tpu.memory_space<vmem_shared>>)
          tpu.yield
        }) : () -> ()
      } else {
      }
    } else {
    }
    %barrier3A_67 = arith.constant 0 : index
    tpu.barrier barrier_id(%barrier3A_67)
    %mul3A_68 = arith.constant 64 : i32
    %mul3A_69 = arith.muli %arg0, %mul3A_68 : i32
    "tpu.region"() ({
      %run_scoped3A = tpu.sem_alloc : memref<!tpu.dma_semaphore, #tpu.memory_space<semaphore_mem>>
      %dma_start3A_70 = tpu.memref_slice %arg4[%mul3A_6, %mul3A_69] : memref<10000x128xf32, #tpu.memory_space<hbm>> -> memref<625x64xf32, #tpu.memory_space<hbm>>
      %dma_start3A_71 = arith.constant 0 : i32
      %dma_start3A_72 = tpu.memref_slice %arg15[%mul3A_6, %dma_start3A_71] : memref<10000x64xf32, #tpu.memory_space<vmem_shared>> -> memref<625x64xf32, #tpu.memory_space<vmem_shared>>
      tpu.enqueue_dma source(%dma_start3A_72 : memref<625x64xf32, #tpu.memory_space<vmem_shared>>) target(%dma_start3A_70 : memref<625x64xf32, #tpu.memory_space<hbm>>) target_semaphore(%run_scoped3A : memref<!tpu.dma_semaphore, #tpu.memory_space<semaphore_mem>>)
      %dma_wait3A_73 = tpu.memref_slice %arg4[%mul3A_6, %mul3A_69] : memref<10000x128xf32, #tpu.memory_space<hbm>> -> memref<625x64xf32, #tpu.memory_space<hbm>>
      %dma_wait3A_74 = arith.constant 0 : i32
      %dma_wait3A_75 = tpu.memref_slice %arg15[%mul3A_6, %dma_wait3A_74] : memref<10000x64xf32, #tpu.memory_space<vmem_shared>> -> memref<625x64xf32, #tpu.memory_space<vmem_shared>>
      tpu.wait_dma2 semaphore(%run_scoped3A : memref<!tpu.dma_semaphore, #tpu.memory_space<semaphore_mem>>) src(%dma_wait3A_75 : memref<625x64xf32, #tpu.memory_space<vmem_shared>>) dst(%dma_wait3A_73 : memref<625x64xf32, #tpu.memory_space<hbm>>)
      tpu.yield
    }) : () -> ()
    "tpu.region"() ({
      %run_scoped3A = tpu.sem_alloc : memref<!tpu.dma_semaphore, #tpu.memory_space<semaphore_mem>>
      %dma_start3A_70 = arith.constant 0 : i32
      %dma_start3A_71 = tpu.memref_slice %arg5[%arg0, %mul3A_17, %dma_start3A_70] : memref<2x10240x16xf32, #tpu.memory_space<hbm>> -> memref<1x640x16xf32, #tpu.memory_space<hbm>>
      %dma_start3A_72 = tpu.memref_squeeze %dma_start3A_71 : memref<1x640x16xf32, #tpu.memory_space<hbm>> -> memref<640x16xf32, #tpu.memory_space<hbm>>
      %dma_start3A_73 = arith.constant 0 : i32
      %dma_start3A_74 = tpu.memref_slice %arg16[%mul3A_17, %dma_start3A_73] : memref<10240x16xf32, #tpu.memory_space<vmem_shared>> -> memref<640x16xf32, #tpu.memory_space<vmem_shared>>
      tpu.enqueue_dma source(%dma_start3A_74 : memref<640x16xf32, #tpu.memory_space<vmem_shared>>) target(%dma_start3A_72 : memref<640x16xf32, #tpu.memory_space<hbm>>) target_semaphore(%run_scoped3A : memref<!tpu.dma_semaphore, #tpu.memory_space<semaphore_mem>>)
      %dma_wait3A_75 = arith.constant 0 : i32
      %dma_wait3A_76 = tpu.memref_slice %arg5[%arg0, %mul3A_17, %dma_wait3A_75] : memref<2x10240x16xf32, #tpu.memory_space<hbm>> -> memref<1x640x16xf32, #tpu.memory_space<hbm>>
      %dma_wait3A_77 = tpu.memref_squeeze %dma_wait3A_76 : memref<1x640x16xf32, #tpu.memory_space<hbm>> -> memref<640x16xf32, #tpu.memory_space<hbm>>
      %dma_wait3A_78 = arith.constant 0 : i32
      %dma_wait3A_79 = tpu.memref_slice %arg16[%mul3A_17, %dma_wait3A_78] : memref<10240x16xf32, #tpu.memory_space<vmem_shared>> -> memref<640x16xf32, #tpu.memory_space<vmem_shared>>
      tpu.wait_dma2 semaphore(%run_scoped3A : memref<!tpu.dma_semaphore, #tpu.memory_space<semaphore_mem>>) src(%dma_wait3A_79 : memref<640x16xf32, #tpu.memory_space<vmem_shared>>) dst(%dma_wait3A_77 : memref<640x16xf32, #tpu.memory_space<hbm>>)
      tpu.yield
    }) : () -> ()
    return
  }
}

module attributes {stable_mosaic.version = 14 : i64} {
  func.func @_vn_body(%arg0: i32, %arg1: memref<1x1x1000xi32, #tpu.memory_space<vmem>>, %arg2: memref<1000x128xf32, #tpu.memory_space<vmem>>, %arg3: memref<1x128xf32, #tpu.memory_space<vmem>>, %arg4: memref<256x128xf32, #tpu.memory_space<vmem>>, %arg5: memref<1x128xf32, #tpu.memory_space<vmem>>, %arg6: memref<1x128xf32, #tpu.memory_space<vmem>>, %arg7: memref<1x128xf32, #tpu.memory_space<vmem>>, %arg8: memref<128x128xf32, #tpu.memory_space<vmem>>, %arg9: memref<1x128xf32, #tpu.memory_space<vmem>>, %arg10: memref<100x128xf32, #tpu.memory_space<vmem>>, %arg11: memref<100x129xf32, #tpu.memory_space<vmem>>) attributes {dimension_semantics = [#tpu.dimension_semantics<arbitrary>], iteration_bounds = array<i64: 10>, scalar_prefetch = 0 : i64, scratch_operands = 1 : i64, tpu.core_type = #tpu.core_type<tc>, window_params = [{transform_indices = @transform_0, window_bounds = array<i64: 1, 1, 1000>}, {transform_indices = @transform_1, window_bounds = array<i64: 1000, 128>}, {pipeline_mode = #tpu.pipeline_mode<synchronous>, transform_indices = @transform_2, window_bounds = array<i64: 1, 128>}, {pipeline_mode = #tpu.pipeline_mode<synchronous>, transform_indices = @transform_3, window_bounds = array<i64: 256, 128>}, {pipeline_mode = #tpu.pipeline_mode<synchronous>, transform_indices = @transform_4, window_bounds = array<i64: 1, 128>}, {pipeline_mode = #tpu.pipeline_mode<synchronous>, transform_indices = @transform_5, window_bounds = array<i64: 1, 128>}, {pipeline_mode = #tpu.pipeline_mode<synchronous>, transform_indices = @transform_6, window_bounds = array<i64: 1, 128>}, {pipeline_mode = #tpu.pipeline_mode<synchronous>, transform_indices = @transform_7, window_bounds = array<i64: 128, 128>}, {pipeline_mode = #tpu.pipeline_mode<synchronous>, transform_indices = @transform_8, window_bounds = array<i64: 1, 128>}, {pipeline_mode = #tpu.pipeline_mode<synchronous>, transform_indices = @transform_9, window_bounds = array<i64: 100, 128>}]} {
    %eq3A = arith.constant 0 : i32
    %eq3A_0 = arith.cmpi eq, %arg0, %eq3A : i32
    %convert_element_type3A = arith.extui %eq3A_0 : i1 to i32
    %cond3A = arith.constant 0 : i32
    %cond3A_1 = arith.cmpi ne, %convert_element_type3A, %cond3A : i32
    scf.if %cond3A_1 {
      %broadcast_in_dim3A_26 = arith.constant 0.000000e+00 : f32
      %broadcast_in_dim3A_27 = vector.broadcast %broadcast_in_dim3A_26 : f32 to vector<100x129xf32>
      %swap3A_28 = arith.constant 0 : index
      %swap3A_29 = arith.constant 0 : index
      %swap3A_30 = vector.load %arg11[%swap3A_28, %swap3A_29] : memref<100x129xf32, #tpu.memory_space<vmem>>, vector<100x129xf32>
      tpu.vector_store %arg11[%swap3A_28, %swap3A_29], %broadcast_in_dim3A_27 {strides = array<i32>} : memref<100x129xf32, #tpu.memory_space<vmem>>, vector<100x129xf32>,
    } else {
    }
    %get3A = arith.constant 0 : index
    %get3A_2 = arith.constant 0 : index
    %get3A_3 = arith.constant 0 : index
    %get3A_4 = vector.load %arg1[%get3A, %get3A_2, %get3A_3] : memref<1x1x1000xi32, #tpu.memory_space<vmem>>, vector<1x1x1000xi32>
    %get3A_5 = vector.shape_cast %get3A_4 : vector<1x1x1000xi32> to vector<1000xi32>
    %broadcast_in_dim3A = vector.shape_cast %get3A_5 : vector<1000xi32> to vector<1000x1xi32>
    %iota3A = tpu.iota {dimensions = array<i32: 1>} : vector<1000x100xi32>
    %eq3A_6 = vector.broadcast %broadcast_in_dim3A : vector<1000x1xi32> to vector<1000x100xi32>
    %eq3A_7 = arith.cmpi eq, %eq3A_6, %iota3A : vector<1000x100xi32>
    %convert_element_type3A_8 = arith.extui %eq3A_7 : vector<1000x100xi1> to vector<1000x100xi32>
    %convert_element_type3A_9 = arith.sitofp %convert_element_type3A_8 : vector<1000x100xi32> to vector<1000x100xf32>
    %get3A_10 = arith.constant 0 : index
    %get3A_11 = arith.constant 0 : index
    %get3A_12 = vector.load %arg2[%get3A_10, %get3A_11] : memref<1000x128xf32, #tpu.memory_space<vmem>>, vector<1000x128xf32>
    %broadcast_in_dim3A_13 = arith.constant 1.000000e+00 : f32
    %broadcast_in_dim3A_14 = vector.broadcast %broadcast_in_dim3A_13 : f32 to vector<1000x1xf32>
    %concatenate3A = tpu.concatenate %get3A_12, %broadcast_in_dim3A_14 in 1 : vector<1000x128xf32>, vector<1000x1xf32> -> vector<1000x129xf32>
    %get3A_15 = arith.constant 0 : index
    %get3A_16 = arith.constant 0 : index
    %get3A_17 = vector.load %arg11[%get3A_15, %get3A_16] : memref<100x129xf32, #tpu.memory_space<vmem>>, vector<100x129xf32>
    %dot_general3A = arith.constant dense<0.000000e+00> : vector<100x129xf32>
    %dot_general3A_18 = tpu.matmul %convert_element_type3A_9, %concatenate3A, %dot_general3A {dimension_numbers = #tpu.dot_dimension_numbers<[0], [0], [1], [1], [0, 1, 1, 1], [], []>, precision = #tpu.contract_precision<fp32>, transpose_lhs_hint = false} : vector<1000x100xf32>, vector<1000x129xf32>, vector<100x129xf32> -> vector<100x129xf32>
    %add3A = arith.addf %get3A_17, %dot_general3A_18 : vector<100x129xf32>
    %swap3A = arith.constant 0 : index
    %swap3A_19 = arith.constant 0 : index
    %swap3A_20 = vector.load %arg11[%swap3A, %swap3A_19] : memref<100x129xf32, #tpu.memory_space<vmem>>, vector<100x129xf32>
    tpu.vector_store %arg11[%swap3A, %swap3A_19], %add3A {strides = array<i32>} : memref<100x129xf32, #tpu.memory_space<vmem>>, vector<100x129xf32>,
    %eq3A_21 = arith.constant 9 : i32
    %eq3A_22 = arith.cmpi eq, %arg0, %eq3A_21 : i32
    %convert_element_type3A_23 = arith.extui %eq3A_22 : i1 to i32
    %cond3A_24 = arith.constant 0 : i32
    %cond3A_25 = arith.cmpi ne, %convert_element_type3A_23, %cond3A_24 : i32
    scf.if %cond3A_25 {
      %get3A_26 = arith.constant 0 : index
      %get3A_27 = arith.constant 0 : index
      %get3A_28 = vector.load %arg11[%get3A_26, %get3A_27] : memref<100x129xf32, #tpu.memory_space<vmem>>, vector<100x128xf32>
      %get3A_29 = arith.constant 0 : index
      %get3A_30 = arith.constant 128 : index
      %get3A_31 = vector.load %arg11[%get3A_29, %get3A_30] : memref<100x129xf32, #tpu.memory_space<vmem>>, vector<100x1xf32>
      %max3A = arith.constant 1.000000e+00 : f32
      %max3A_32 = vector.broadcast %max3A : f32 to vector<100x1xf32>
      %max3A_33 = arith.maximumf %get3A_31, %max3A_32 : vector<100x1xf32>
      %div3A = vector.broadcast %max3A_33 : vector<100x1xf32> to vector<100x128xf32>
      %div3A_34 = arith.divf %get3A_28, %div3A : vector<100x128xf32>
      %get3A_35 = arith.constant 0 : index
      %get3A_36 = arith.constant 0 : index
      %get3A_37 = vector.load %arg3[%get3A_35, %get3A_36] : memref<1x128xf32, #tpu.memory_space<vmem>>, vector<1x128xf32>
      %get3A_38 = arith.constant 0 : index
      %get3A_39 = arith.constant 0 : index
      %get3A_40 = vector.load %arg4[%get3A_38, %get3A_39] : memref<256x128xf32, #tpu.memory_space<vmem>>, vector<128x128xf32>
      %dot_general3A_41 = arith.constant dense<0.000000e+00> : vector<1x128xf32>
      %dot_general3A_42 = tpu.matmul %get3A_37, %get3A_40, %dot_general3A_41 {dimension_numbers = #tpu.dot_dimension_numbers<[1], [0], [0], [1], [0, 0, 1, 1], [], []>, precision = #tpu.contract_precision<fp32>, transpose_lhs_hint = false} : vector<1x128xf32>, vector<128x128xf32>, vector<1x128xf32> -> vector<1x128xf32>
      %get3A_43 = arith.constant 0 : index
      %get3A_44 = arith.constant 0 : index
      %get3A_45 = vector.load %arg5[%get3A_43, %get3A_44] : memref<1x128xf32, #tpu.memory_space<vmem>>, vector<1x128xf32>
      %add3A_46 = arith.addf %dot_general3A_42, %get3A_45 : vector<1x128xf32>
      %get3A_47 = arith.constant 128 : index
      %get3A_48 = arith.constant 0 : index
      %get3A_49 = vector.load %arg4[%get3A_47, %get3A_48] : memref<256x128xf32, #tpu.memory_space<vmem>>, vector<128x128xf32>
      %dot_general3A_50 = arith.constant dense<0.000000e+00> : vector<100x128xf32>
      %dot_general3A_51 = tpu.matmul %div3A_34, %get3A_49, %dot_general3A_50 {dimension_numbers = #tpu.dot_dimension_numbers<[1], [0], [0], [1], [0, 0, 1, 1], [], []>, precision = #tpu.contract_precision<fp32>, transpose_lhs_hint = false} : vector<100x128xf32>, vector<128x128xf32>, vector<100x128xf32> -> vector<100x128xf32>
      %add3A_52 = vector.broadcast %add3A_46 : vector<1x128xf32> to vector<100x128xf32>
      %add3A_53 = arith.addf %add3A_52, %dot_general3A_51 : vector<100x128xf32>
      %mul3A = arith.constant 5.000000e-01 : f32
      %mul3A_54 = vector.broadcast %mul3A : f32 to vector<100x128xf32>
      %mul3A_55 = arith.mulf %mul3A_54, %add3A_53 : vector<100x128xf32>
      %mul3A_56 = arith.constant 0.707106769 : f32
      %mul3A_57 = vector.broadcast %mul3A_56 : f32 to vector<100x128xf32>
      %mul3A_58 = arith.mulf %add3A_53, %mul3A_57 : vector<100x128xf32>
      %erf3A = math.erf %mul3A_58 : vector<100x128xf32>
      %add3A_59 = arith.constant 1.000000e+00 : f32
      %add3A_60 = vector.broadcast %add3A_59 : f32 to vector<100x128xf32>
      %add3A_61 = arith.addf %add3A_60, %erf3A : vector<100x128xf32>
      %mul3A_62 = arith.mulf %mul3A_55, %add3A_61 : vector<100x128xf32>
      %reduce_sum3A = arith.constant dense<0.000000e+00> : vector<100xf32>
      %reduce_sum3A_63 = vector.multi_reduction <add>, %mul3A_62, %reduce_sum3A [1] : vector<100x128xf32> to vector<100xf32>
      %broadcast_in_dim3A_64 = vector.shape_cast %reduce_sum3A_63 : vector<100xf32> to vector<100x1xf32>
      %div3A_65 = arith.constant 1.280000e+02 : f32
      %div3A_66 = vector.broadcast %div3A_65 : f32 to vector<100x1xf32>
      %div3A_67 = arith.divf %broadcast_in_dim3A_64, %div3A_66 : vector<100x1xf32>
      %sub3A = vector.broadcast %div3A_67 : vector<100x1xf32> to vector<100x128xf32>
      %sub3A_68 = arith.subf %mul3A_62, %sub3A : vector<100x128xf32>
      %integer_pow3A = arith.mulf %sub3A_68, %sub3A_68 : vector<100x128xf32>
      %reduce_sum3A_69 = arith.constant dense<0.000000e+00> : vector<100xf32>
      %reduce_sum3A_70 = vector.multi_reduction <add>, %integer_pow3A, %reduce_sum3A_69 [1] : vector<100x128xf32> to vector<100xf32>
      %broadcast_in_dim3A_71 = vector.shape_cast %reduce_sum3A_70 : vector<100xf32> to vector<100x1xf32>
      %div3A_72 = arith.constant 1.280000e+02 : f32
      %div3A_73 = vector.broadcast %div3A_72 : f32 to vector<100x1xf32>
      %div3A_74 = arith.divf %broadcast_in_dim3A_71, %div3A_73 : vector<100x1xf32>
      %sub3A_75 = vector.broadcast %div3A_67 : vector<100x1xf32> to vector<100x128xf32>
      %sub3A_76 = arith.subf %mul3A_62, %sub3A_75 : vector<100x128xf32>
      %add3A_77 = arith.constant 9.99999974E-6 : f32
      %add3A_78 = vector.broadcast %add3A_77 : f32 to vector<100x1xf32>
      %add3A_79 = arith.addf %div3A_74, %add3A_78 : vector<100x1xf32>
      %rsqrt3A = math.rsqrt %add3A_79 : vector<100x1xf32>
      %mul3A_80 = vector.broadcast %rsqrt3A : vector<100x1xf32> to vector<100x128xf32>
      %mul3A_81 = arith.mulf %sub3A_76, %mul3A_80 : vector<100x128xf32>
      %get3A_82 = arith.constant 0 : index
      %get3A_83 = arith.constant 0 : index
      %get3A_84 = vector.load %arg6[%get3A_82, %get3A_83] : memref<1x128xf32, #tpu.memory_space<vmem>>, vector<1x128xf32>
      %mul3A_85 = vector.broadcast %get3A_84 : vector<1x128xf32> to vector<100x128xf32>
      %mul3A_86 = arith.mulf %mul3A_81, %mul3A_85 : vector<100x128xf32>
      %get3A_87 = arith.constant 0 : index
      %get3A_88 = arith.constant 0 : index
      %get3A_89 = vector.load %arg7[%get3A_87, %get3A_88] : memref<1x128xf32, #tpu.memory_space<vmem>>, vector<1x128xf32>
      %add3A_90 = vector.broadcast %get3A_89 : vector<1x128xf32> to vector<100x128xf32>
      %add3A_91 = arith.addf %mul3A_86, %add3A_90 : vector<100x128xf32>
      %get3A_92 = arith.constant 0 : index
      %get3A_93 = arith.constant 0 : index
      %get3A_94 = vector.load %arg9[%get3A_92, %get3A_93] : memref<1x128xf32, #tpu.memory_space<vmem>>, vector<1x128xf32>
      %get3A_95 = arith.constant 0 : index
      %get3A_96 = arith.constant 0 : index
      %get3A_97 = vector.load %arg8[%get3A_95, %get3A_96] : memref<128x128xf32, #tpu.memory_space<vmem>>, vector<128x128xf32>
      %dot_general3A_98 = arith.constant dense<0.000000e+00> : vector<100x128xf32>
      %dot_general3A_99 = tpu.matmul %add3A_91, %get3A_97, %dot_general3A_98 {dimension_numbers = #tpu.dot_dimension_numbers<[1], [0], [0], [1], [0, 0, 1, 1], [], []>, precision = #tpu.contract_precision<fp32>, transpose_lhs_hint = false} : vector<100x128xf32>, vector<128x128xf32>, vector<100x128xf32> -> vector<100x128xf32>
      %add3A_100 = vector.broadcast %get3A_94 : vector<1x128xf32> to vector<100x128xf32>
      %add3A_101 = arith.addf %add3A_100, %dot_general3A_99 : vector<100x128xf32>
      %swap3A_102 = arith.constant 0 : index
      %swap3A_103 = arith.constant 0 : index
      %swap3A_104 = vector.load %arg10[%swap3A_102, %swap3A_103] : memref<100x128xf32, #tpu.memory_space<vmem>>, vector<100x128xf32>
      tpu.vector_store %arg10[%swap3A_102, %swap3A_103], %add3A_101 {strides = array<i32>} : memref<100x128xf32, #tpu.memory_space<vmem>>, vector<100x128xf32>,
    } else {
    }
    return
  }
  func.func @transform_0(%arg0: i32) -> (i32, i32, i32) {
    %c0_i32 = arith.constant 0 : i32
    %c0_i32_0 = arith.constant 0 : i32
    %c0_i32_1 = arith.constant 0 : i32
    return %arg0, %c0_i32, %c0_i32_0 : i32, i32, i32
  }
  func.func @transform_1(%arg0: i32) -> (i32, i32) {
    %c0_i32 = arith.constant 0 : i32
    %c0_i32_0 = arith.constant 0 : i32
    return %arg0, %c0_i32 : i32, i32
  }
  func.func @transform_2(%arg0: i32) -> (i32, i32) {
    %c0_i32 = arith.constant 0 : i32
    %c0_i32_0 = arith.constant 0 : i32
    %c0_i32_1 = arith.constant 0 : i32
    return %c0_i32, %c0_i32_0 : i32, i32
  }
  func.func @transform_3(%arg0: i32) -> (i32, i32) {
    %c0_i32 = arith.constant 0 : i32
    %c0_i32_0 = arith.constant 0 : i32
    %c0_i32_1 = arith.constant 0 : i32
    return %c0_i32, %c0_i32_0 : i32, i32
  }
  func.func @transform_4(%arg0: i32) -> (i32, i32) {
    %c0_i32 = arith.constant 0 : i32
    %c0_i32_0 = arith.constant 0 : i32
    %c0_i32_1 = arith.constant 0 : i32
    return %c0_i32, %c0_i32_0 : i32, i32
  }
  func.func @transform_5(%arg0: i32) -> (i32, i32) {
    %c0_i32 = arith.constant 0 : i32
    %c0_i32_0 = arith.constant 0 : i32
    %c0_i32_1 = arith.constant 0 : i32
    return %c0_i32, %c0_i32_0 : i32, i32
  }
  func.func @transform_6(%arg0: i32) -> (i32, i32) {
    %c0_i32 = arith.constant 0 : i32
    %c0_i32_0 = arith.constant 0 : i32
    %c0_i32_1 = arith.constant 0 : i32
    return %c0_i32, %c0_i32_0 : i32, i32
  }
  func.func @transform_7(%arg0: i32) -> (i32, i32) {
    %c0_i32 = arith.constant 0 : i32
    %c0_i32_0 = arith.constant 0 : i32
    %c0_i32_1 = arith.constant 0 : i32
    return %c0_i32, %c0_i32_0 : i32, i32
  }
  func.func @transform_8(%arg0: i32) -> (i32, i32) {
    %c0_i32 = arith.constant 0 : i32
    %c0_i32_0 = arith.constant 0 : i32
    %c0_i32_1 = arith.constant 0 : i32
    return %c0_i32, %c0_i32_0 : i32, i32
  }
  func.func @transform_9(%arg0: i32) -> (i32, i32) {
    %c0_i32 = arith.constant 0 : i32
    %c0_i32_0 = arith.constant 0 : i32
    %c0_i32_1 = arith.constant 0 : i32
    return %c0_i32, %c0_i32_0 : i32, i32
  }
}

module attributes {stable_mosaic.version = 14 : i64} {
  func.func @_nf_body(%arg0: i32, %arg1: memref<1x1x1000xi32, #tpu.memory_space<vmem>>, %arg2: memref<1000x128xf32, #tpu.memory_space<vmem>>, %arg3: memref<1000x128xf32, #tpu.memory_space<vmem>>, %arg4: memref<1x1x1000xf32, #tpu.memory_space<vmem>>, %arg5: memref<100x128xf32, #tpu.memory_space<vmem>>, %arg6: memref<128x128xf32, #tpu.memory_space<vmem>>, %arg7: memref<1x128xf32, #tpu.memory_space<vmem>>, %arg8: memref<1000x128xf32, #tpu.memory_space<vmem>>) attributes {dimension_semantics = [#tpu.dimension_semantics<arbitrary>], iteration_bounds = array<i64: 10>, scalar_prefetch = 0 : i64, scratch_operands = 0 : i64, tpu.core_type = #tpu.core_type<tc>, window_params = [{transform_indices = @transform_0, window_bounds = array<i64: 1, 1, 1000>}, {transform_indices = @transform_1, window_bounds = array<i64: 1000, 128>}, {transform_indices = @transform_2, window_bounds = array<i64: 1000, 128>}, {transform_indices = @transform_3, window_bounds = array<i64: 1, 1, 1000>}, {pipeline_mode = #tpu.pipeline_mode<synchronous>, transform_indices = @transform_4, window_bounds = array<i64: 100, 128>}, {pipeline_mode = #tpu.pipeline_mode<synchronous>, transform_indices = @transform_5, window_bounds = array<i64: 128, 128>}, {pipeline_mode = #tpu.pipeline_mode<synchronous>, transform_indices = @transform_6, window_bounds = array<i64: 1, 128>}, {transform_indices = @transform_7, window_bounds = array<i64: 1000, 128>}]} {
    %get3A = arith.constant 0 : index
    %get3A_0 = arith.constant 0 : index
    %get3A_1 = arith.constant 0 : index
    %get3A_2 = vector.load %arg1[%get3A, %get3A_0, %get3A_1] : memref<1x1x1000xi32, #tpu.memory_space<vmem>>, vector<1x1x1000xi32>
    %get3A_3 = vector.shape_cast %get3A_2 : vector<1x1x1000xi32> to vector<1000xi32>
    %broadcast_in_dim3A = vector.shape_cast %get3A_3 : vector<1000xi32> to vector<1000x1xi32>
    %iota3A = tpu.iota {dimensions = array<i32: 1>} : vector<1000x100xi32>
    %eq3A = vector.broadcast %broadcast_in_dim3A : vector<1000x1xi32> to vector<1000x100xi32>
    %eq3A_4 = arith.cmpi eq, %eq3A, %iota3A : vector<1000x100xi32>
    %convert_element_type3A = arith.extui %eq3A_4 : vector<1000x100xi1> to vector<1000x100xi32>
    %convert_element_type3A_5 = arith.sitofp %convert_element_type3A : vector<1000x100xi32> to vector<1000x100xf32>
    %get3A_6 = arith.constant 0 : index
    %get3A_7 = arith.constant 0 : index
    %get3A_8 = vector.load %arg5[%get3A_6, %get3A_7] : memref<100x128xf32, #tpu.memory_space<vmem>>, vector<100x128xf32>
    %dot_general3A = arith.constant dense<0.000000e+00> : vector<1000x128xf32>
    %dot_general3A_9 = tpu.matmul %convert_element_type3A_5, %get3A_8, %dot_general3A {dimension_numbers = #tpu.dot_dimension_numbers<[1], [0], [0], [1], [0, 0, 1, 1], [], []>, precision = #tpu.contract_precision<fp32>, transpose_lhs_hint = false} : vector<1000x100xf32>, vector<100x128xf32>, vector<1000x128xf32> -> vector<1000x128xf32>
    %get3A_10 = arith.constant 0 : index
    %get3A_11 = arith.constant 0 : index
    %get3A_12 = vector.load %arg3[%get3A_10, %get3A_11] : memref<1000x128xf32, #tpu.memory_space<vmem>>, vector<1000x128xf32>
    %get3A_13 = arith.constant 0 : index
    %get3A_14 = arith.constant 0 : index
    %get3A_15 = arith.constant 0 : index
    %get3A_16 = vector.load %arg4[%get3A_13, %get3A_14, %get3A_15] : memref<1x1x1000xf32, #tpu.memory_space<vmem>>, vector<1x1x1000xf32>
    %get3A_17 = vector.shape_cast %get3A_16 : vector<1x1x1000xf32> to vector<1000xf32>
    %broadcast_in_dim3A_18 = vector.shape_cast %get3A_17 : vector<1000xf32> to vector<1000x1xf32>
    %max3A = arith.constant 1.000000e+00 : f32
    %max3A_19 = vector.broadcast %max3A : f32 to vector<1000x1xf32>
    %max3A_20 = arith.maximumf %broadcast_in_dim3A_18, %max3A_19 : vector<1000x1xf32>
    %div3A = vector.broadcast %max3A_20 : vector<1000x1xf32> to vector<1000x128xf32>
    %div3A_21 = arith.divf %get3A_12, %div3A : vector<1000x128xf32>
    %get3A_22 = arith.constant 0 : index
    %get3A_23 = arith.constant 0 : index
    %get3A_24 = vector.load %arg6[%get3A_22, %get3A_23] : memref<128x128xf32, #tpu.memory_space<vmem>>, vector<128x128xf32>
    %dot_general3A_25 = arith.constant dense<0.000000e+00> : vector<1000x128xf32>
    %dot_general3A_26 = tpu.matmul %div3A_21, %get3A_24, %dot_general3A_25 {dimension_numbers = #tpu.dot_dimension_numbers<[1], [0], [0], [1], [0, 0, 1, 1], [], []>, precision = #tpu.contract_precision<fp32>, transpose_lhs_hint = false} : vector<1000x128xf32>, vector<128x128xf32>, vector<1000x128xf32> -> vector<1000x128xf32>
    %get3A_27 = arith.constant 0 : index
    %get3A_28 = arith.constant 0 : index
    %get3A_29 = vector.load %arg7[%get3A_27, %get3A_28] : memref<1x128xf32, #tpu.memory_space<vmem>>, vector<1x128xf32>
    %gt3A = arith.constant 0.000000e+00 : f32
    %gt3A_30 = vector.broadcast %gt3A : f32 to vector<1000x1xf32>
    %gt3A_31 = arith.cmpf ogt, %broadcast_in_dim3A_18, %gt3A_30 : vector<1000x1xf32>
    %convert_element_type3A_32 = arith.extui %gt3A_31 : vector<1000x1xi1> to vector<1000x1xi32>
    %convert_element_type3A_33 = arith.sitofp %convert_element_type3A_32 : vector<1000x1xi32> to vector<1000x1xf32>
    %mul3A = vector.broadcast %get3A_29 : vector<1x128xf32> to vector<1000x128xf32>
    %mul3A_34 = vector.broadcast %convert_element_type3A_33 : vector<1000x1xf32> to vector<1000x128xf32>
    %mul3A_35 = arith.mulf %mul3A, %mul3A_34 : vector<1000x128xf32>
    %add3A = arith.addf %dot_general3A_26, %mul3A_35 : vector<1000x128xf32>
    %get3A_36 = arith.constant 0 : index
    %get3A_37 = arith.constant 0 : index
    %get3A_38 = vector.load %arg2[%get3A_36, %get3A_37] : memref<1000x128xf32, #tpu.memory_space<vmem>>, vector<1000x128xf32>
    %add3A_39 = arith.addf %get3A_38, %dot_general3A_9 : vector<1000x128xf32>
    %add3A_40 = arith.addf %add3A_39, %add3A : vector<1000x128xf32>
    %swap3A = arith.constant 0 : index
    %swap3A_41 = arith.constant 0 : index
    %swap3A_42 = vector.load %arg8[%swap3A, %swap3A_41] : memref<1000x128xf32, #tpu.memory_space<vmem>>, vector<1000x128xf32>
    tpu.vector_store %arg8[%swap3A, %swap3A_41], %add3A_40 {strides = array<i32>} : memref<1000x128xf32, #tpu.memory_space<vmem>>, vector<1000x128xf32>,
    return
  }
  func.func @transform_0(%arg0: i32) -> (i32, i32, i32) {
    %c0_i32 = arith.constant 0 : i32
    %c0_i32_0 = arith.constant 0 : i32
    %c0_i32_1 = arith.constant 0 : i32
    return %arg0, %c0_i32, %c0_i32_0 : i32, i32, i32
  }
  func.func @transform_1(%arg0: i32) -> (i32, i32) {
    %c0_i32 = arith.constant 0 : i32
    %c0_i32_0 = arith.constant 0 : i32
    return %arg0, %c0_i32 : i32, i32
  }
  func.func @transform_2(%arg0: i32) -> (i32, i32) {
    %c0_i32 = arith.constant 0 : i32
    %c0_i32_0 = arith.constant 0 : i32
    return %arg0, %c0_i32 : i32, i32
  }
  func.func @transform_3(%arg0: i32) -> (i32, i32, i32) {
    %c0_i32 = arith.constant 0 : i32
    %c0_i32_0 = arith.constant 0 : i32
    %c0_i32_1 = arith.constant 0 : i32
    return %arg0, %c0_i32, %c0_i32_0 : i32, i32, i32
  }
  func.func @transform_4(%arg0: i32) -> (i32, i32) {
    %c0_i32 = arith.constant 0 : i32
    %c0_i32_0 = arith.constant 0 : i32
    %c0_i32_1 = arith.constant 0 : i32
    return %c0_i32, %c0_i32_0 : i32, i32
  }
  func.func @transform_5(%arg0: i32) -> (i32, i32) {
    %c0_i32 = arith.constant 0 : i32
    %c0_i32_0 = arith.constant 0 : i32
    %c0_i32_1 = arith.constant 0 : i32
    return %c0_i32, %c0_i32_0 : i32, i32
  }
  func.func @transform_6(%arg0: i32) -> (i32, i32) {
    %c0_i32 = arith.constant 0 : i32
    %c0_i32_0 = arith.constant 0 : i32
    %c0_i32_1 = arith.constant 0 : i32
    return %c0_i32, %c0_i32_0 : i32, i32
  }
  func.func @transform_7(%arg0: i32) -> (i32, i32) {
    %c0_i32 = arith.constant 0 : i32
    %c0_i32_0 = arith.constant 0 : i32
    return %arg0, %c0_i32 : i32, i32
  }
}

</mosaic_0001>

<sc_bundles>
// kernel: kernel.5.cloned.1.call-start
scs
__scs_entry_jumppad:
0x0: {  	(pc) =	sbr.rel $0x88, $3  }
0x1: {  	(tag) =	ssettag $0x0;
	lr =	simm.s32 $0x1  }
0x2: {  	[smem:$0x3F94] =	sst lr;
	_ =	strace $0xD0000000  }
0x3: {  	_ = 	snop  }
0x4: {  	_ = 	snop  }
0x5: {  	_ = 	snop  }
0x6: {  	_ = 	snop  }
0x7: {  	_ = 	snop  }
__scs_overlays_trampoline_lowered:
0x8: {  	[smem:$0x3FA3] =	sst s0  }
0x9: {  	[smem:$0x3FA4] =	sst s1  }
0xa: {  	[smem:$0x3FA5] =	sst s2  }
0xb: {  	[smem:$0x3FA6] =	sst s3  }
0xc: {  	[smem:$0x3FA7] =	sst s4  }
0xd: {  	[smem:$0x3FA8] =	sst s5  }
0xe: {  	[smem:$0x3FA9] =	sst s6  }
0xf: {  	[smem:$0x3FAA] =	sst s7  }
0x10: {  	[smem:$0x3FAB] =	sst s8  }
0x11: {  	[smem:$0x3FAC] =	sst s9;
	s0 =	simm.s32 @!p0 $0x0  }
0x12: {  	s1 =	sld [smem:$0x3F92];
	s0 =	simm.s32 @p0 $0x1  }
0x13: {  	[smem:$0x3FAD] =	sst s0;
	s0 =	simm.s32 @!p1 $0x0  }
0x14: {  	s2 =	sld [smem:$0x3F91];
	s0 =	simm.s32 @p1 $0x1  }
0x15: {  	[smem:$0x3FAE] =	sst s0;
	s0 =	simm.s32 @!p2 $0x0  }
0x16: {  	s3 =	sld [smem:$0x3FDB];
	s0 =	simm.s32 @p2 $0x1  }
0x17: {  	s4 =	simm.s32 $0x1BF5;
	[smem:$0x3FB0] =	sst s0  }
0x18: {  	s0 =	sld [smem:$0x3F93];
	_ =	swait.ge [sflag:s4], $0x0  }
0x19: {  	s7 =	sld [smem:$0x3F94]  }
0x1a: {  	s8 =	sadd.s32 $0xFFFFE003, lr  }
0x1b: {  	s9 =	sadd.s32 $0xFFFFFEF7, lr;
	s5 =	simm.s32 $0xFFFFFFFF;
	p2 =	slt.u32 s8, $0xFFFFF086  }
0x1c: {  	p1 =	slt.u32 s9, $0xF7A;
	s5 =	simm.s32 @!p2 $0x0  }
0x1d: {  	s5 =	simm.s32 @p1 $0x1;
	p0 =	seq.s32 s7, s2  }
0x1e: {  	s7 =	smul.u32 @!p0 $0xF7A, s2;
	p2 =	seq.s32 @!p0 s5, $0x0  }
0x1f: {  	s9 =	smul.u32 $0xF7A, s1;
	s8 =	simm.s32 @!p0 $0x1BF5;
	p2 =	por !p2, p0  }
0x20: {  	[sflag:s8] =	ssyncset.s32 @!p0 $0xFFFFF086;
	s6 =	sadd.s32 @!p0 s3, s7;
	s7 =	simm.s32 @!p0 $0x108  }
0x21: {  	s3 =	sadd.s32 s3, s9;
	s6 =	sadd.s32 @!p0 $0x88, s6;
	s7 =	simm.s32 @p2 $0x1082  }
0x22: {  	[simem:s7], [sflag:s8] =	dma.local @!p0 [hbm:s6], $0xF7A  }
0x23: {  	s9 =	sor.u32 $0xD0000000, s2;
	s6 =	simm.s32 $0x108;
	_ =	swait.ge @!p0 [sflag:s8], $0x0  }
0x24: {  	s3 =	sadd.s32 $0x88, s3;
	s6 =	simm.s32 @!p1 $0x1082;
	[sflag:s4] =	ssyncset.s32 $0xFFFFF086  }
0x25: {  	[simem:s6], [sflag:s4] =	dma.local [hbm:s3], $0xF7A  }
0x26: {  	[smem:$0x3F94] =	sst s1;
	(tag) =	ssettag s2;
	_ =	strace s9  }
0x27: {  	s1 =	sld [smem:$0x3FA4]  }
0x28: {  	s2 =	sld [smem:$0x3FA5]  }
0x29: {  	s4 =	sld [smem:$0x3FA7]  }
0x2a: {  	p0 =	seq.s32 s5, $0x0;
	s5 =	sld [smem:$0x3FA8]  }
0x2b: {  	s6 =	sld [smem:$0x3FA9]  }
0x2c: {  	s7 =	sld [smem:$0x3FAA]  }
0x2d: {  	s3 =	simm.s32 $0x108;
	s8 =	sld [smem:$0x3FAB]  }
0x2e: {  	s3 =	simm.s32 @!p0 $0x1082;
	s9 =	sld [smem:$0x3FAC]  }
0x2f: {  	lr =	sadd.s32 s0, s3;
	s0 =	sld [smem:$0x3FA3]  }
0x30: {  	s3 =	sld [smem:$0x3FA6]  }
0x31: {  	[smem:$0x3FAF] =	sst s10  }
0x32: {  	s10 =	sld [smem:$0x3FAD];
	_ =	sdelay $0x3  }
0x33: {  	p0 =	seq.s32 s10, $0x1;
	s10 =	sld [smem:$0x3FAF];
	_ =	sdelay $0x3  }
0x34: {  	[smem:$0x3FAF] =	sst s10  }
0x35: {  	s10 =	sld [smem:$0x3FAE];
	_ =	sdelay $0x3  }
0x36: {  	p1 =	seq.s32 s10, $0x1;
	s10 =	sld [smem:$0x3FAF];
	_ =	sdelay $0x3  }
0x37: {  	[smem:$0x3FAF] =	sst s10  }
0x38: {  	s10 =	sld [smem:$0x3FB0]  }
0x39: {  	_ = 	snop;
	(pc) =	sbr.ind lr, $3  }
0x3a: {  	_ = 	snop  }
0x3b: {  	_ = 	snop  }
0x3c: {  	p2 =	seq.s32 s10, $0x1;
	s10 =	sld [smem:$0x3FAF]  }
0x3d: {  	_ =	shalt  }
0x3e: {  	_ =	shalt  }
0x3f: {  	_ =	shalt  }
0x40: {  	_ =	shalt  }
0x41: {  	_ =	shalt  }
0x42: {  	_ =	shalt  }
0x43: {  	_ =	shalt  }
0x44: {  	_ =	shalt  }
0x45: {  	_ =	shalt  }
0x46: {  	_ =	shalt  }
0x47: {  	_ =	shalt  }
0x48: {  	_ =	shalt  }
0x49: {  	_ =	shalt  }
0x4a: {  	_ =	shalt  }
0x4b: {  	_ =	shalt  }
0x4c: {  	_ =	shalt  }
0x4d: {  	_ =	shalt  }
0x4e: {  	_ =	shalt  }
0x4f: {  	_ =	shalt  }
0x50: {  	_ =	shalt  }
0x51: {  	_ =	shalt  }
0x52: {  	_ =	shalt  }
0x53: {  	_ =	shalt  }
0x54: {  	_ =	shalt  }
0x55: {  	_ =	shalt  }
0x56: {  	_ =	shalt  }
0x57: {  	_ =	shalt  }
0x58: {  	_ =	shalt  }
0x59: {  	_ =	shalt  }
0x5a: {  	_ =	shalt  }
0x5b: {  	_ =	shalt  }
0x5c: {  	_ =	shalt  }
0x5d: {  	_ =	shalt  }
0x5e: {  	_ =	shalt  }
0x5f: {  	_ =	shalt  }
0x60: {  	_ =	shalt  }
0x61: {  	_ =	shalt  }
0x62: {  	_ =	shalt  }
0x63: {  	_ =	shalt  }
0x64: {  	_ =	shalt  }
0x65: {  	_ =	shalt  }
0x66: {  	_ =	shalt  }
0x67: {  	_ =	shalt  }
0x68: {  	_ =	shalt  }
0x69: {  	_ =	shalt  }
0x6a: {  	_ =	shalt  }
0x6b: {  	_ =	shalt  }
0x6c: {  	_ =	shalt  }
0x6d: {  	_ =	shalt  }
0x6e: {  	_ =	shalt  }
0x6f: {  	_ =	shalt  }
0x70: {  	_ =	shalt  }
0x71: {  	_ =	shalt  }
0x72: {  	_ =	shalt  }
0x73: {  	_ =	shalt  }
0x74: {  	_ =	shalt  }
0x75: {  	_ =	shalt  }
0x76: {  	_ =	shalt  }
0x77: {  	_ =	shalt  }
0x78: {  	_ =	shalt  }
0x79: {  	_ =	shalt  }
0x7a: {  	_ =	shalt  }
0x7b: {  	_ =	shalt  }
0x7c: {  	_ =	shalt  }
0x7d: {  	_ =	shalt  }
0x7e: {  	_ =	shalt  }
0x7f: {  	_ =	shalt  }
0x80: {  	_ =	shalt  }
0x81: {  	_ =	shalt  }
0x82: {  	_ =	shalt  }
0x83: {  	_ =	shalt  }
0x84: {  	_ =	shalt  }
0x85: {  	_ =	shalt  }
0x86: {  	_ =	shalt  }
0x87: {  	_ =	shalt  }
.Lfunc_end0:
.L_simem_size_0:
called_computation_lowered:
.L_overlay_start_0:
0x88: {  	s2 =	sld [smem:$0x3FD9]  }
0x89: {  	s3 =	sld [smem:$0x3FFE];
	_ =	sdelay $0x1  }
0x8a: {  	s1 =	srdreg.scid  }
0x8b: {  	s0 =	sand.u32 $0x1, s1  }
0x8c: {  	s14 =	sshll.u32 s0, $0xA;
	s2 =	sadd.s32 s3, s2  }
0x8d: {  	s2 =	sadd.s32 s2, s14  }
0x8e: {  	[smem:$0x3FBB] =	sst s2  }
0x8f: {  	_ = 	snop  }
0x90: {  	s2 =	sld [smem:$0x3FD0];
	_ =	sdelay $0x2  }
0x91: {  	s4 =	simm.s32 $0xA;
	s5 =	simm.s32 $0x10;
	s15 =	sld [smem:$0x3FC8]  }
0x92: {  	[smem:s5], [sflag:s4] =	dma.local [hbm:s2], $0x1  }
0x93: {  	_ =	swait.eq [sflag:s4], $0x1  }
0x94: {  	[sflag:s4] =	ssyncset.done $0x0  }
0x95: {  	[sflag:s4] =	ssyncadd.s32 $0xFFFFFFFF  }
0x96: {  	s16 =	sld [smem:$0x10];
	(tm) =	ssettm $0x1  }
0x97: {  	s17 =	sld [smem:$0x3FFB];
	_ =	sdelay $0x3  }
0x98: {  	_ =	strace s17  }
0x99: {  	s4 =	sld [smem:$0x3FFC];
	_ =	sdelay $0x3  }
0x9a: {  	_ =	strace s4  }
0x9b: {  	s4 =	sld [smem:$0x3FFD];
	_ =	sdelay $0x3  }
0x9c: {  	_ =	strace s4  }
0x9d: {  	_ =	strace $0x8FFFFFFF  }
0x9e: {  	s18 =	sld [smem:$0x3FDB];
	_ =	sdelay $0x1  }
0x9f: {  	s19 =	simm.s32 $_scs_section_size  }
0xa0: {  	s6 =	simm.s32 $_size__tile_overlayer_lowered;
	s7 =	simm.s32 $_tile_overlayer_lowered  }
0xa1: {  	s22 =	simm.s32 $0x1BFF;
	s21 =	sshll.u32 s7, $0x1;
	s4 =	sadd.s32 s19, s18  }
0xa2: {  	s8 =	simm.s32 $0x0;
	s20 =	sshll.u32 s6, $0x1;
	s6 =	sadd.s32 s21, s4  }
0xa3: {  	[timem:s8], [sflag:s22] =	dma.local [hbm:s6], s20  }
0xa4: {  	_ =	swait.ge [sflag:s22], s20  }
0xa5: {  	s5 =	ssub.s32 $0x0, s20;
	[sflag:s22] =	ssyncset.done $0x0  }
0xa6: {  	[sflag:s22] =	ssyncadd.s32 s5;
	_ =	sdelay $0x1  }
0xa7: {  	s23 =	simm.s32 $0x1B8B  }
0xa8: {  	_ =	swait.ge [sflag:s23], $0x1  }
0xa9: {  	[sflag:s23] =	ssyncset.done $0x0  }
0xaa: {  	s25 =	simm.s32 $0x1B8E;
	s24 =	sld [smem:$0x3FFE];
	[sflag:s23] =	ssyncadd.s32 $0xFFFFFFFF  }
0xab: {  	s26 =	simm.s32 $execute0_lowered;
	[smem:$0x3FD2] =	sst s25  }
0xac: {  	s6 =	sshll.u32 s26, $0x1;
	_ =	strace $0x80000046;
	[dreg:$0x1] =	wrdreg $0xFFFFFFFF  }
0xad: {  	s28 =	simm.s32 $_size_execute0_lowered;
	s4 =	sadd.s32 s4, s6;
	[dreg:$0x0] =	wrdreg $0x0  }
0xae: {  	s6 =	sshll.u32 s28, $0x1;
	[dreg:$0x2] =	wrdreg s4  }
0xaf: {  	[dreg:$0x3] =	wrdreg s6  }
0xb0: {  	[dreg:$0x4] =	wrdreg $0xC0  }
0xb1: {  	_ =	task [dreg:s8], $0x5FFFF  }
0xb2: {  	[dreg:$0x1] =	wrdreg $0xFFFFFFFF  }
0xb3: {  	[dreg:$0x0] =	wrdreg $0x60  }
0xb4: {  	[dreg:$0x2] =	wrdreg s15  }
0xb5: {  	[dreg:$0x3] =	wrdreg s24  }
0xb6: {  	[dreg:$0x4] =	wrdreg s16  }
0xb7: {  	[dreg:$0x5] =	wrdreg $0x98000  }
0xb8: {  	[dreg:$0x6] =	wrdreg $0x134400  }
0xb9: {  	[dreg:$0x7] =	wrdreg $0x9  }
0xba: {  	_ =	task.clear_ibuf [dreg:s8], $0x8FFFF;
	_ =	strace $0x90000046  }
0xbb: {  	s29 =	simm.s32 $0x9;
	_ =	strace $0x80000048  }
0xbc: {  	_ =	swait.ge [sflag:s29], $0x1  }
0xbd: {  	[sflag:s29] =	ssyncadd.s32 $0xFFFFFFFF  }
0xbe: {  	_ =	strace $0x90000048  }
0xbf: {  	_ =	sfence  }
0xc0: {  	s30 =	sld [smem:$0x0];
	_ =	sdelay $0x2  }
0xc1: {  	s31 =	sshll.u32 s1, $0xD;
	s1 =	sshrl.u32 s1, $0x2  }
0xc2: {  	s3 =	sand.u32 $0x4000, s31;
	s1 =	sadd.s32 s1, s30  }
0xc3: {  	s0 =	sor.u32 s3, s0;
	s1 =	sshll.u32 s1, $0x11  }
0xc4: {  	s0 =	sor.u32 s1, s0  }
0xc5: {  	s0 =	sadd.s32 $0x8F2B, s0  }
0xc6: {  	[sflag:s0] =	ssyncadd.remote.s32 $0x1  }
0xc7: {  	_ =	sfence.sel $0xFFFF  }
0xc8: {  	[dreg:$0x0] =	wrdreg $0xFFFFFFFF;
	(pc) =	sbr.abs _section_cstart, $3  }
0xc9: {  	[dreg:$0x1] =	wrdreg $0xFFFFFFFF  }
0xca: {  	_ =	task.clear_ibuf [dreg:s8], $0x2FFFF;
	_ =	strace $0x9FFFFFFF  }
0xcb: {  	(tm) =	ssettm $0x7FFFFFFF  }
tec
execute0_lowered:
.L_overlay_start_1:
0x0: {  	(tag) =	ssettag $0x1  }
0x1: {  	s0 =	rddreg [dreg:$0x0]  }
0x2: {  	s1 =	rddreg [dreg:$0x1]  }
0x3: {  	s4 =	rddreg [dreg:$0x2];
	s21 =	stileid.u32  }
0x4: {  	s2 =	rddreg [dreg:$0x3];
	s5 =	smul.u32 $0x9C, s21  }
0x5: {  	s3 =	rddreg [dreg:$0x4];
	s8 =	smul.u32 $0x2800, s21  }
0x6: {  	s6 =	srdreg.scid;
	s10 =	simm.s32 $0x0;
	s11 =	smul.u32 $0x27100, s21  }
0x7: {  	s28 =	simm.s32 $0x6;
	s29 =	simm.s32 $0x9000;
	s22 =	smul.u32 $0xA000, s21  }
0x8: {  	s30 =	simm.s32 $0x40;
	s31 =	simm.s32 $0x80;
	s15 =	smul.u32 $0x13880, s21  }
0x9: {  	s7 =	smin.u32 s21, $0x4;
	s6 =	sand.u32 $0x1, s6;
	s16 =	smul.u32 $0x270000, s21  }
0xa: {  	[smem:$0x7FF] =	sst s10;
	p2 =	sgt.u32 s21, $0x3;
	s17 =	smul.u32 $0x28000, s6  }
0xb: {  	_ =	strace $0x80000047;
	s19 =	ssub.s32 $0x2, s6;
	s26 =	sshll.u32 s6, $0x6  }
0xc: {  	p0 =	sne.s32 s6, $0x0;
	p1 =	seq.s32 s6, $0x0;
	p3 =	sne.s32 @!p2 s6, $0x0  }
0xd: {  	s6 =	simm.s32 $0x4;
	s9 =	sadd.s32 s7, s5;
	s11 =	sshrl.u32 s11, $0x2  }
0xe: {  	s13 =	sshrl.u32 s19, $0x1;
	s10 =	sshrl.u32 s22, $0x2;
	s15 =	sor.u32 s26, s15  }
0xf: {  	s7 =	sshll.u32 s7, $0xE;
	p3 =	por p3, p2;
	s18 =	sshll.u32 s9, $0x4  }
0x10: {  	s5 =	sadd.s32 s8, s17;
	s9 =	sshll.u32 s9, $0xE;
	s14 =	sadd.s32 s10, s3  }
0x11: {  	s10 =	sadd.s32 s8, s3;
	s15 =	sshrl.u32 s15, $0x3;
	s7 =	sadd.s32 s7, s16  }
0x12: {  	s12 =	sadd.s32 s18, s1;
	s5 =	sshrl.u32 s5, $0x3;
	s9 =	sor.u32 s26, s9  }
0x13: {  	s17 =	sadd.s32 $0x800, s14;
	s4 =	sadd.s32 s4, s15;
	s7 =	sor.u32 s26, s7  }
0x14: {  	s1 =	sadd.s32 s5, s1;
	s5 =	sadd.s32 s11, s2;
	[dreg:$0xa] =	wrdreg s17  }
0x15: {  	s21 =	sadd.s32 $0x1800, s14;
	[dreg:$0xc] =	wrdreg s4;
	s20 =	sadd.s32 $0x2000, s5  }
0x16: {  	s11 =	ssub.s32 s19, s13;
	s23 =	sadd.s32 $0x4000, s5;
	[dreg:$0x6] =	wrdreg s20  }
0x17: {  	s18 =	sshrl.u32 s9, $0x3;
	s24 =	sadd.s32 $0x6000, s5;
	[dreg:$0x7] =	wrdreg s23  }
0x18: {  	s19 =	sadd.s32 $0x4000, s9;
	s25 =	sadd.s32 $0x8000, s5;
	[dreg:$0x8] =	wrdreg s24  }
0x19: {  	s22 =	sadd.s32 $0x8000, s9;
	s8 =	sadd.s32 s0, s18;
	[dreg:$0x9] =	wrdreg s25  }
0x1a: {  	[dreg:$0xb] =	wrdreg s8;
	s8 =	sshrl.u32 s19, $0x3;
	s20 =	sadd.s32 $0x270000, s9  }
0x1b: {  	s23 =	sshrl.u32 s22, $0x3;
	s24 =	sadd.s32 $0xC000, s9;
	s25 =	sadd.s32 $0x14000, s7  }
0x1c: {  	s7 =	sadd.s32 $0x10000, s7;
	s22 =	sadd.s32 $0x2000, s14;
	s9 =	simm.s32 $0x0  }
0x1d: {  	s4 =	sshrl.u32 s20, $0x3;
	s8 =	sadd.s32 s0, s8;
	s26 =	sshrl.u32 s25, $0x3  }
0x1e: {  	s7 =	sshrl.u32 s7, $0x3;
	s20 =	sadd.s32 $0x1000, s14;
	s25 =	smax.u32 s11, $0x1  }
0x1f: {  	[dreg:$0xd] =	wrdreg s8;
	s4 =	sadd.s32 s0, s4;
	s18 =	sadd.s32 s26, s0  }
.Ltmp0:
0x20: {  	s19 =	sadd.s32 s7, s0;
	s26 =	simm.s32 $0x5000;
	(pc) =	sbr.rel .LBB2_1-.Ltmp0, $4  }
0x21: {  	s7 =	simm.s32 $0x2;
	[dreg:$0xe] =	wrdreg s4;
	s4 =	sadd.s32 s0, s23  }
0x22: {  	s8 =	simm.s32 $0x5;
	s23 =	sadd.s32 $0x1E00, s12;
	[dreg:$0xf] =	wrdreg s4  }
0x23: {  	s4 =	sshrl.u32 s24, $0x3;
	s24 =	sadd.s32 $0xBC00, s1;
	s1 =	simm.s32 $0x1  }
0x24: {  	v0 =	vimm.f32 $0.0e+00;
	v1 =	vimm.f32 $1.000000000e+00;
	s17 =	sadd.s32 s0, s4;
	s0 =	simm.s32 $0x7000;
	s4 =	simm.s32 $0x3  }
.LBB2_7:
0x25: {  	_ =	swait.ge [sflag:s6], $0x2000  }
0x26: {  	[sflag:s6] =	ssyncset.done $0x0  }
0x27: {  	[sflag:s6] =	ssyncadd.s32 $0xFFFFE000  }
.LBB2_9:
0x28: {  	_ =	swait.ge [sflag:s8], $0x800  }
0x29: {  	s11 =	simm.s32 @!p2 $0x40;
	s12 =	simm.s32 @!p2 $0x80;
	[sflag:s8] =	ssyncset.done $0x0  }
0x2a: {  	s13 =	simm.s32 @!p2 $0x5000;
	s14 =	rddreg [dreg:$0xe];
	[sflag:s8] =	ssyncadd.s32 $0xFFFFF800  }
0x2b: {  	[tilespmem:s13], [sflag:$0x1] =	stream.strided.gather @!p2 [hbm4b:s14+s11], $0x2000, s12, s11, $0x38;
	[tilespmem:$0x15C40] =	vst v63  }
0x2c: {  	s11 =	simm.s32 @!p2 $0x1  }
0x2d: {  	_ =	swait.ge @!p2 [sflag:s11], $0x2000  }
0x2e: {  	[sflag:s11] =	ssyncset.done @!p2 $0x0  }
0x2f: {  	[sflag:s11] =	ssyncadd.s32 @!p2 $0xFFFFE000;
	s11 =	simm.s32 @!p2 $0x4E00  }
0x30: {  	[spmem:s2] =	stream.indirect.scatter.add.f32 @!p2 [tilespmem:s13], [sflag:$0x6], $0x40, s11, s12, $0xb8;
	[tilespmem:$0x15C40] =	vst v63  }
0x31: {  	s11 =	simm.s32 @!p2 $0x6  }
0x32: {  	_ =	swait.ge @!p2 [sflag:s11], $0x2000  }
0x33: {  	s12 =	simm.s32 @!p3 $0x4E00;
	[sflag:s11] =	ssyncset.done @!p2 $0x0  }
0x34: {  	s13 =	simm.s32 @!p3 $0x9000;
	[sflag:s11] =	ssyncadd.s32 @!p2 $0xFFFFE000;
	s11 =	simm.s32 @!p3 $0x80  }
0x35: {  	[spmem:s3] =	stream.indirect.scatter.add.f32 @!p3 [tilespmem:s13], [sflag:$0x6], $0x10, s12, s11, $0xb8;
	[tilespmem:$0x15C40] =	vst v63  }
0x36: {  	s11 =	simm.s32 @!p3 $0x6  }
0x37: {  	_ =	swait.ge @!p3 [sflag:s11], $0x800  }
0x38: {  	[sflag:s11] =	ssyncset.done @!p3 $0x0  }
0x39: {  	s16 =	simm.s32 $0x10;
	s12 =	stileid.u32;
	[sflag:s11] =	ssyncadd.s32 @!p3 $0xFFFFF800  }
0x3a: {  	s15 =	simm.s32 $0x8;
	s11 =	sshll.u32 s12, $0x6;
	[bflag:$0x0] =	sbarrier.arrive $0xFFFF  }
0x3b: {  	s13 =	sshrl.u32 s5, $0x3;
	s11 =	sor.u32 $0x1C06, s11;
	s14 =	rddreg [dreg:$0xc]  }
0x3c: {  	[hbm:s14@s16], [sflag:s11] =	dma.strided [spmem:s13@s15], $0x1388, s1, $0x8   }
0x3d: {  	s9 =	sadd.s32 $0x1, s9;
	_ =	swait.ge [sflag:s28], $0x1388  }
0x3e: {  	p4 =	sne.s32 s9, s25;
	[sflag:s28] =	ssyncset.done $0x0  }
.Ltmp1:
0x3f: {  	s16 =	sshrl.u32 s10, $0x3;
	[sflag:s28] =	ssyncadd.s32 $0xFFFFEC78;
	(pc) =	sbr.rel @!p4 .LBB2_10-.Ltmp1, $4  }
0x40: {  	[hbm:s24], [sflag:s11] =	dma.local [spmem:s16], $0x500  }
0x41: {  	_ =	swait.ge [sflag:s28], $0x500  }
0x42: {  	[sflag:s28] =	ssyncset.done $0x0  }
0x43: {  	[sflag:s28] =	ssyncadd.s32 $0xFFFFFB00  }
.LBB2_1:
0x44: {  	s12 =	simm.s32 $0x0  }
0x45: {  	s11 =	simm.s32 $0x5020;
	[tilespmem:s12+$0x9000] =	vst v0  }
0x46: {  	[tilespmem:s11+$0xFFFFFFE0] =	vst v0  }
0x47: {  	[tilespmem:s11+$0xFFFFFFF0] =	vst v0  }
0x48: {  	[tilespmem:s11+$0x0] =	vst v0  }
0x49: {  	s12 =	simm.s32 $0x40;
	[tilespmem:s11+$0x10] =	vst v0  }
.LBB2_2:
0x4a: {  	s13 =	sshra.s32 s12, $0x2;
	p4 =	sne.s32 s12, $0x1FC0  }
.Ltmp2:
0x4b: {  	s12 =	sadd.s32 $0x40, s12;
	s11 =	sadd.s32 $0x40, s11;
	[tilespmem:s13+$0x9000] =	vst v0;
	(pc) =	sbr.rel @p4 .LBB2_2-.Ltmp2, $4  }
0x4c: {  	[tilespmem:s11+$0xFFFFFFE0] =	vst v0  }
0x4d: {  	[tilespmem:s11+$0xFFFFFFF0] =	vst v0  }
0x4e: {  	[tilespmem:s11+$0x0] =	vst v0  }
0x4f: {  	[tilespmem:s11+$0x10] =	vst v0  }
0x50: {  	[spmem:s5] =	stream.linear.scatter [tilespmem:s26], [sflag:$0x6], $0x2000, $0x38;
	[tilespmem:$0x15C40] =	vst v63  }
0x51: {  	_ =	swait.ge [sflag:s28], $0x2000  }
0x52: {  	[sflag:s28] =	ssyncset.done $0x0  }
0x53: {  	s11 =	rddreg [dreg:$0x6];
	[sflag:s28] =	ssyncadd.s32 $0xFFFFE000  }
0x54: {  	[spmem:s11] =	stream.linear.scatter [tilespmem:s26], [sflag:$0x6], $0x2000, $0x38;
	[tilespmem:$0x15C40] =	vst v63  }
0x55: {  	_ =	swait.ge [sflag:s28], $0x2000  }
0x56: {  	[sflag:s28] =	ssyncset.done $0x0  }
0x57: {  	s13 =	rddreg [dreg:$0x7];
	[sflag:s28] =	ssyncadd.s32 $0xFFFFE000  }
0x58: {  	[spmem:s13] =	stream.linear.scatter [tilespmem:s26], [sflag:$0x6], $0x2000, $0x38;
	[tilespmem:$0x15C40] =	vst v63  }
0x59: {  	_ =	swait.ge [sflag:s28], $0x2000  }
0x5a: {  	[sflag:s28] =	ssyncset.done $0x0  }
0x5b: {  	s14 =	rddreg [dreg:$0x8];
	[sflag:s28] =	ssyncadd.s32 $0xFFFFE000  }
0x5c: {  	[spmem:s14] =	stream.linear.scatter [tilespmem:s26], [sflag:$0x6], $0x2000, $0x38;
	[tilespmem:$0x15C40] =	vst v63  }
0x5d: {  	_ =	swait.ge [sflag:s28], $0x2000  }
0x5e: {  	[sflag:s28] =	ssyncset.done $0x0  }
0x5f: {  	s15 =	rddreg [dreg:$0x9];
	[sflag:s28] =	ssyncadd.s32 $0xFFFFE000  }
0x60: {  	[spmem:s15] =	stream.linear.scatter [tilespmem:s26], [sflag:$0x6], $0x1C40, $0x38;
	[tilespmem:$0x15C40] =	vst v63  }
0x61: {  	_ =	swait.ge [sflag:s28], $0x1C40  }
0x62: {  	[sflag:s28] =	ssyncset.done $0x0  }
0x63: {  	[sflag:s28] =	ssyncadd.s32 $0xFFFFE3C0  }
0x64: {  	[spmem:s10] =	stream.linear.scatter [tilespmem:s29], [sflag:$0x6], $0x800, $0x38;
	[tilespmem:$0x15C40] =	vst v63  }
0x65: {  	_ =	swait.ge [sflag:s28], $0x800  }
0x66: {  	[sflag:s28] =	ssyncset.done $0x0  }
0x67: {  	s16 =	rddreg [dreg:$0xa];
	[sflag:s28] =	ssyncadd.s32 $0xFFFFF800  }
0x68: {  	[spmem:s16] =	stream.linear.scatter [tilespmem:s29], [sflag:$0x6], $0x800, $0x38;
	[tilespmem:$0x15C40] =	vst v63  }
0x69: {  	_ =	swait.ge [sflag:s28], $0x800  }
0x6a: {  	[sflag:s28] =	ssyncset.done $0x0  }
0x6b: {  	[sflag:s28] =	ssyncadd.s32 $0xFFFFF800  }
0x6c: {  	[spmem:s20] =	stream.linear.scatter [tilespmem:s29], [sflag:$0x6], $0x800, $0x38;
	[tilespmem:$0x15C40] =	vst v63  }
0x6d: {  	_ =	swait.ge [sflag:s28], $0x800  }
0x6e: {  	[sflag:s28] =	ssyncset.done $0x0  }
0x6f: {  	[sflag:s28] =	ssyncadd.s32 $0xFFFFF800  }
0x70: {  	[spmem:s21] =	stream.linear.scatter [tilespmem:s29], [sflag:$0x6], $0x800, $0x38;
	[tilespmem:$0x15C40] =	vst v63  }
0x71: {  	_ =	swait.ge [sflag:s28], $0x800  }
0x72: {  	[sflag:s28] =	ssyncset.done $0x0  }
0x73: {  	[sflag:s28] =	ssyncadd.s32 $0xFFFFF800  }
0x74: {  	[spmem:s22] =	stream.linear.scatter [tilespmem:s29], [sflag:$0x6], $0x800, $0x38;
	[tilespmem:$0x15C40] =	vst v63  }
0x75: {  	_ =	swait.ge [sflag:s28], $0x800  }
0x76: {  	[sflag:s28] =	ssyncset.done $0x0  }
0x77: {  	s12 =	simm.s32 $0x0;
	s11 =	simm.s32 $0x40;
	[sflag:s28] =	ssyncadd.s32 $0xFFFFF800  }
.LBB2_4:
0x78: {  	p4 =	sne.s32 s11, $0x1FC0;
	[tilespmem:s12+$0x9000] =	vst v1;
	s12 =	smov.u32 s11;
	s11 =	sadd.s32 $0x40, s11  }
.Ltmp3:
0x79: {  	(pc) =	sbr.rel @p4 .LBB2_4-.Ltmp3, $2  }
0x7a: {  	_ =	sdelay $0x2  }
0x7b: {  	s12 =	sshra.s32 s12, $0x2  }
0x7c: {  	[tilespmem:s12+$0x9000] =	vst v1;
	s11 =	simm.s32 $0x0  }
0x7d: {  	[tilespmem:s11], [sflag:$0x6] =	stream.linear.gather [hbm4b:s23+s11], $0x5000, $0x38;
	[tilespmem:$0x15C40] =	vst v63  }
0x7e: {  	_ =	swait.ge [sflag:s28], $0x5000  }
0x7f: {  	[sflag:s28] =	ssyncset.done $0x0  }
0x80: {  	[sflag:s28] =	ssyncadd.s32 $0xFFFFB000  }
0x81: {  	[bflag:$0x0] =	sbarrier.arrive $0xFFFF  }
0x82: {  	s14 =	rddreg [dreg:$0xb]  }
0x83: {  	[tilespmem:s26], [sflag:$0x1] =	stream.strided.gather [hbm4b:s14+s30], $0x2000, s31, s30, $0x38;
	[tilespmem:$0x15C40] =	vst v63  }
0x84: {  	s15 =	rddreg [dreg:$0xd]  }
0x85: {  	[tilespmem:s0], [sflag:$0x2] =	stream.strided.gather [hbm4b:s15+s30], $0x2000, s31, s30, $0x38;
	[tilespmem:$0x15C40] =	vst v63  }
0x86: {  	_ =	swait.ge [sflag:s1], $0x2000  }
0x87: {  	[sflag:s1] =	ssyncset.done $0x0  }
0x88: {  	[sflag:s1] =	ssyncadd.s32 $0xFFFFE000  }
0x89: {  	[spmem:s2] =	stream.indirect.scatter.add.f32 [tilespmem:s26], [sflag:$0x3], $0x40, s11, s31, $0xb8;
	[tilespmem:$0x15C40] =	vst v63  }
0x8a: {  	s11 =	simm.s32 @p0 $0x2  }
0x8b: {  	_ =	swait.ge @p0 [sflag:s11], $0x2000  }
0x8c: {  	[sflag:s11] =	ssyncset.done @p0 $0x0  }
0x8d: {  	s12 =	simm.s32 @p0 $0x7000;
	[sflag:s11] =	ssyncadd.s32 @p0 $0xFFFFE000;
	s11 =	simm.s32 @p0 $0x80  }
0x8e: {  	[spmem:s2] =	stream.indirect.scatter.add.f32 @p0 [tilespmem:s12], [sflag:$0x4], $0x40, s11, s11, $0xb8;
	[tilespmem:$0x15C40] =	vst v63  }
0x8f: {  	s12 =	simm.s32 @p0 $0x9000  }
0x90: {  	[spmem:s3] =	stream.indirect.scatter.add.f32 @p0 [tilespmem:s12], [sflag:$0x5], $0x10, s11, s11, $0xb8;
	[tilespmem:$0x15C40] =	vst v63  }
0x91: {  	s13 =	simm.s32 @!p0 $0x0;
	s11 =	simm.s32 @!p0 $0x80;
	s12 =	simm.s32 @!p0 $0x9000  }
0x92: {  	[spmem:s3] =	stream.indirect.scatter.add.f32 @!p0 [tilespmem:s12], [sflag:$0x5], $0x10, s13, s11, $0xb8;
	[tilespmem:$0x15C40] =	vst v63  }
0x93: {  	s13 =	simm.s32 @!p0 $0x2  }
0x94: {  	_ =	swait.ge @!p0 [sflag:s13], $0x2000  }
0x95: {  	[sflag:s13] =	ssyncset.done @!p0 $0x0  }
0x96: {  	[sflag:s13] =	ssyncadd.s32 @!p0 $0xFFFFE000;
	s13 =	simm.s32 @!p0 $0x7000  }
0x97: {  	[spmem:s2] =	stream.indirect.scatter.add.f32 @!p0 [tilespmem:s13], [sflag:$0x4], $0x40, s11, s11, $0xb8;
	[tilespmem:$0x15C40] =	vst v63  }
0x98: {  	_ =	swait.ge [sflag:s4], $0x2000  }
0x99: {  	[sflag:s4] =	ssyncset.done $0x0  }
0x9a: {  	s16 =	rddreg [dreg:$0xf];
	[sflag:s4] =	ssyncadd.s32 $0xFFFFE000  }
0x9b: {  	[tilespmem:s26], [sflag:$0x1] =	stream.strided.gather [hbm4b:s16+s30], $0x2000, s31, s30, $0x38;
	[tilespmem:$0x15C40] =	vst v63  }
0x9c: {  	_ =	swait.ge [sflag:s6], $0x2000  }
0x9d: {  	[sflag:s6] =	ssyncset.done $0x0  }
0x9e: {  	s14 =	simm.s32 $0x180;
	s13 =	simm.s32 $0x0;
	[sflag:s6] =	ssyncadd.s32 $0xFFFFE000  }
0x9f: {  	[tilespmem:s0], [sflag:$0x2] =	stream.strided.gather [hbm4b:s17+s30], $0x2000, s31, s30, $0x38;
	[tilespmem:$0x15C40] =	vst v63  }
.LBB2_6:
0xa0: {  	_ =	swait.ge [sflag:s1], $0x2000  }
0xa1: {  	[sflag:s1] =	ssyncset.done $0x0  }
0xa2: {  	s15 =	sadd.s32 $0xFFFFFF80, s14;
	s16 =	simm.s32 @!p0 $0x5;
	[sflag:s1] =	ssyncadd.s32 $0xFFFFE000  }
0xa3: {  	[spmem:s2] =	stream.indirect.scatter.add.f32 [tilespmem:s26], [sflag:$0x3], $0x40, s15, s31, $0xb8;
	[tilespmem:$0x15C40] =	vst v63  }
0xa4: {  	_ =	swait.ge @!p0 [sflag:s16], $0x800  }
0xa5: {  	[sflag:s16] =	ssyncset.done @!p0 $0x0  }
0xa6: {  	[sflag:s16] =	ssyncadd.s32 @!p0 $0xFFFFF800  }
0xa7: {  	[spmem:s3] =	stream.indirect.scatter.add.f32 @!p0 [tilespmem:s12], [sflag:$0x5], $0x10, s15, s11, $0xb8;
	[tilespmem:$0x15C40] =	vst v63  }
0xa8: {  	_ =	swait.ge [sflag:s7], $0x2000  }
0xa9: {  	[sflag:s7] =	ssyncset.done $0x0  }
0xaa: {  	s15 =	simm.s32 @!p1 $0x5;
	[sflag:s7] =	ssyncadd.s32 $0xFFFFE000  }
0xab: {  	[spmem:s2] =	stream.indirect.scatter.add.f32 [tilespmem:s0], [sflag:$0x4], $0x40, s14, s31, $0xb8;
	[tilespmem:$0x15C40] =	vst v63  }
0xac: {  	_ =	swait.ge @!p1 [sflag:s15], $0x800  }
0xad: {  	p4 =	sne.s32 s13, $0x4C000;
	s16 =	simm.s32 @!p1 $0x9000;
	[sflag:s15] =	ssyncset.done @!p1 $0x0  }
.Ltmp4:
0xae: {  	[sflag:s15] =	ssyncadd.s32 @!p1 $0xFFFFF800;
	s15 =	simm.s32 @!p1 $0x80;
	(pc) =	sbr.rel @!p4 .LBB2_7-.Ltmp4, $4  }
0xaf: {  	[spmem:s3] =	stream.indirect.scatter.add.f32 @!p1 [tilespmem:s16], [sflag:$0x5], $0x10, s14, s15, $0xb8;
	[tilespmem:$0x15C40] =	vst v63  }
0xb0: {  	_ =	swait.ge [sflag:s4], $0x2000  }
0xb1: {  	[sflag:s4] =	ssyncset.done $0x0  }
0xb2: {  	[sflag:s4] =	ssyncadd.s32 $0xFFFFE000  }
0xb3: {  	s15 =	sadd.s32 s13, s19;
	s16 =	sadd.s32 s13, s18;
	s13 =	sadd.s32 $0x1000, s13  }
0xb4: {  	[tilespmem:s26], [sflag:$0x1] =	stream.strided.gather [hbm4b:s15+s30], $0x2000, s31, s30, $0x38;
	[tilespmem:$0x15C40] =	vst v63  }
0xb5: {  	p4 =	sne.s32 s13, $0x4D000  }
.Ltmp5:
0xb6: {  	_ = 	snop;
	(pc) =	sbr.rel @p4 .LBB2_6-.Ltmp5, $4  }
.Ltmp6:
0xb7: {  	_ =	swait.ge [sflag:s6], $0x2000;
	(pc) =	sbr.rel @!p4 .LBB2_9-.Ltmp6, $4  }
0xb8: {  	[sflag:s6] =	ssyncset.done $0x0  }
0xb9: {  	s14 =	sadd.s32 $0x100, s14;
	[sflag:s6] =	ssyncadd.s32 $0xFFFFE000  }
0xba: {  	[tilespmem:s0], [sflag:$0x2] =	stream.strided.gather [hbm4b:s16+s30], $0x2000, s31, s30, $0x38;
	[tilespmem:$0x15C40] =	vst v63  }
0xbb: {  	_ = 	snop  }
.LBB2_10:
0xbc: {  	_ =	sfence.sel $0x180000  }
0xbd: {  	[bflag:$0x0] =	sbarrier.arrive $0xFFFF  }
0xbe: {  	_ =	strace $0x90000047  }
0xbf: {  	s0 =	stileid.u32;
	[bflag:$0x2] =	sbarrier.arrive $0xFFFF  }
0xc0: {  	p0 =	sne.s32 s0, $0x0;
	s0 =	rddreg [dreg:$0x5]  }
0xc1: {  	s0 =	sadd.s32 @!p0 $0x100000, s0  }
0xc2: {  	[sflag:s0] =	ssyncadd.tile.s32 @!p0 $0x1;
	_ =	shalt  }
.Lfunc_end2:
_tile_overlayer_lowered:
.L_overlay_start_2:
0xc3: {  	(tag) =	ssettag $0x2  }
0xc4: {  	s0 =	rddreg [dreg:$0x0];
	s2 =	stileid.u32  }
0xc5: {  	s1 =	rddreg [dreg:$0x1];
	p0 =	sne.s32 s2, $0x0  }
0xc6: {  	s3 =	rddreg [dreg:$0x2];
	[bflag:$0x3] =	sbarrier.arrive $0xFFFF;
	s2 =	simm.s32 @!p0 $0x1C06  }
0xc7: {  	[timem:s3], [sflag:s2] =	dma.local @!p0 [hbm:s0], s1  }
0xc8: {  	s0 =	simm.s32 @!p0 $0x6  }
0xc9: {  	_ =	swait.ge @!p0 [sflag:s0], s1  }
0xca: {  	s1 =	ssub.s32 @!p0 $0x0, s1;
	[sflag:s0] =	ssyncset.done @!p0 $0x0  }
0xcb: {  	[sflag:s0] =	ssyncadd.s32 @!p0 s1  }
0xcc: {  	[bflag:$0x3] =	sbarrier.arrive $0xFFFF  }
0xcd: {  	_ =	shalt  }

</sc_bundles>
